<compile_context>
chip_gen: v7x
topology: tpu7x:2x2x1
jax: 0.10.2.dev20260603
libtpu: 0.0.44.dev20260713+nightly
codegen_flags: <defaults>
</compile_context>

<pallas_src>
import functools
import jax
import jax.numpy as jnp
from jax import lax
from jax.experimental import pallas as pl
from jax.experimental.pallas import tpu as pltpu
from jax.experimental.pallas import tpu_sc as plsc

N = 10000
E = 320000
D_IN = 128
D_HID = 64
N_GRAPHS = 20
N_CLUSTERS = 25

NC = 2
NS = 16
NW = NC * NS
CHUNK = 50
NCH = E // (NW * CHUNK)
IB = 40
NIB = NCH // IB
ROWS_PER_TILE = 640
LAST_ROWS = N - (NS - 1) * ROWS_PER_TILE
DW = 64
NBUF = 5

_mesh = plsc.VectorSubcoreMesh(core_axis_name="c", subcore_axis_name="s")
_sc_params = pltpu.CompilerParams(use_tc_tiling_on_sc=False)


N_PAD = NS * ROWS_PER_TILE


@functools.partial(
    pl.kernel,
    mesh=_mesh,
    compiler_params=_sc_params,
    out_type=jax.ShapeDtypeStruct((NC, 1, N_PAD), jnp.float32),
    scratch_types=[
        pltpu.VMEM((NCH, CHUNK), jnp.int32),
        pltpu.VMEM((128,), jnp.float32),
        pltpu.VMEM((ROWS_PER_TILE,), jnp.float32),
        pltpu.VMEM_SHARED((N_PAD,), jnp.float32),
        pltpu.SemaphoreType.DMA,
    ],
)
def _sc_degree(edges_hbm, out_hbm, dst_v, ones_v, zero_v, dacc, dsem):
    c = lax.axis_index("c")
    s = lax.axis_index("s")
    wid = c * NS + s
    for i in range(128 // 16):
        ones_v[pl.ds(16 * i, 16)] = jnp.ones((16,), jnp.float32)
    for i in range(ROWS_PER_TILE // 16):
        zero_v[pl.ds(16 * i, 16)] = jnp.zeros((16,), jnp.float32)

    pltpu.sync_copy(zero_v, dacc.at[pl.ds(ROWS_PER_TILE * s, ROWS_PER_TILE)])
    plsc.subcore_barrier()
    pltpu.sync_copy(edges_hbm.at[1, wid], dst_v)

    def fire(j, carry):
        pltpu.async_copy(ones_v.at[pl.ds(0, CHUNK)], dacc.at[dst_v.at[j]],
                         dsem, add=True)
        return carry

    lax.fori_loop(0, NCH, fire, 0)

    def drain(j, carry):
        pltpu.make_async_copy(ones_v.at[pl.ds(0, CHUNK)],
                              dacc.at[dst_v.at[0]], dsem).wait()
        return carry

    lax.fori_loop(0, NCH, drain, 0)
    plsc.subcore_barrier()
    pltpu.sync_copy(dacc.at[pl.ds(ROWS_PER_TILE * s, ROWS_PER_TILE)],
                    out_hbm.at[c, 0, pl.ds(ROWS_PER_TILE * s, ROWS_PER_TILE)])


@functools.partial(
    pl.kernel,
    mesh=_mesh,
    compiler_params=_sc_params,
    out_type=jax.ShapeDtypeStruct((NC, N, DW), jnp.float32),
    scratch_types=[
        pltpu.VMEM((IB, CHUNK), jnp.int32),
        pltpu.VMEM((IB, CHUNK), jnp.int32),
        pltpu.VMEM((NBUF, CHUNK, DW), jnp.float32),
        pltpu.VMEM_SHARED((N, DW), jnp.float32),
        pltpu.SemaphoreType.DMA,
        pltpu.SemaphoreType.DMA,
    ],
)
def _sc_agg(y_hbm, edges_hbm, out_hbm, src_v, dst_v, rows_v, acc,
            gsem, ssem):
    c = lax.axis_index("c")
    s = lax.axis_index("s")
    wid = c * NS + s

    @pl.when(s < NS - 1)
    def _():
        pltpu.async_copy(y_hbm.at[pl.ds(ROWS_PER_TILE * s, ROWS_PER_TILE)],
                         acc.at[pl.ds(ROWS_PER_TILE * s, ROWS_PER_TILE)], gsem)

    @pl.when(s == NS - 1)
    def _():
        pltpu.async_copy(y_hbm.at[pl.ds(ROWS_PER_TILE * (NS - 1), LAST_ROWS)],
                         acc.at[pl.ds(ROWS_PER_TILE * (NS - 1), LAST_ROWS)],
                         gsem)

    pltpu.sync_copy(edges_hbm.at[0, wid, pl.ds(0, IB)], src_v)
    pltpu.sync_copy(edges_hbm.at[1, wid, pl.ds(0, IB)], dst_v)

    @pl.when(s < NS - 1)
    def _():
        pltpu.make_async_copy(
            y_hbm.at[pl.ds(ROWS_PER_TILE * s, ROWS_PER_TILE)],
            acc.at[pl.ds(ROWS_PER_TILE * s, ROWS_PER_TILE)], gsem).wait()

    @pl.when(s == NS - 1)
    def _():
        pltpu.make_async_copy(
            y_hbm.at[pl.ds(ROWS_PER_TILE * (NS - 1), LAST_ROWS)],
            acc.at[pl.ds(ROWS_PER_TILE * (NS - 1), LAST_ROWS)], gsem).wait()

    plsc.subcore_barrier()

    def ib_body(ib, carry):
        @pl.when(ib > 0)
        def _():
            pltpu.sync_copy(edges_hbm.at[0, wid, pl.ds(IB * ib, IB)], src_v)
            pltpu.sync_copy(edges_hbm.at[1, wid, pl.ds(IB * ib, IB)], dst_v)

        for b in range(NBUF - 1):
            pltpu.async_copy(y_hbm.at[src_v.at[b]], rows_v.at[b], gsem)

        def chunk_body(j, carry2):
            b = lax.rem(j, NBUF)
            pltpu.make_async_copy(y_hbm.at[src_v.at[j]], rows_v.at[b],
                                  gsem).wait()
            pltpu.async_copy(rows_v.at[b], acc.at[dst_v.at[j]], ssem,
                             add=True)

            @pl.when(j > 0)
            def _():
                pltpu.make_async_copy(rows_v.at[b], acc.at[dst_v.at[0]],
                                      ssem).wait()

            @pl.when(j + NBUF - 1 < IB)
            def _():
                bnext = lax.rem(j + NBUF - 1, NBUF)
                pltpu.async_copy(y_hbm.at[src_v.at[j + NBUF - 1]],
                                 rows_v.at[bnext], gsem)

            return carry2

        lax.fori_loop(0, IB, chunk_body, 0)
        pltpu.make_async_copy(rows_v.at[0], acc.at[dst_v.at[0]], ssem).wait()
        return carry

    lax.fori_loop(0, NIB, ib_body, 0)
    plsc.subcore_barrier()

    @pl.when(s < NS - 1)
    def _():
        pltpu.sync_copy(acc.at[pl.ds(ROWS_PER_TILE * s, ROWS_PER_TILE)],
                        out_hbm.at[c, pl.ds(ROWS_PER_TILE * s, ROWS_PER_TILE)])

    @pl.when(s == NS - 1)
    def _():
        pltpu.sync_copy(acc.at[pl.ds(ROWS_PER_TILE * (NS - 1), LAST_ROWS)],
                        out_hbm.at[c, pl.ds(ROWS_PER_TILE * (NS - 1), LAST_ROWS)])


_BLK = 1000
_GRID = N // _BLK


def _tc0_body(x_ref, w1_ref, h1_ref):
    h1_ref[...] = jnp.dot(x_ref[...], w1_ref[...],
                          preferred_element_type=jnp.float32)


def _tc0(x, w1):
    return pl.pallas_call(
        _tc0_body,
        grid=(_GRID,),
        in_specs=[
            pl.BlockSpec((_BLK, D_IN), lambda i: (i, 0)),
            pl.BlockSpec((D_IN, D_HID), lambda i: (0, 0)),
        ],
        out_specs=pl.BlockSpec((_BLK, D_HID), lambda i: (i, 0)),
        out_shape=jax.ShapeDtypeStruct((N, D_HID), jnp.float32),
    )(x, w1)


def _tc1_body(h1_ref, d0_ref, d1_ref, h1s_ref, dinv_ref):
    dinv = lax.rsqrt(d0_ref[...] + d1_ref[...] + 1.0)
    h1s_ref[...] = h1_ref[...] * dinv
    dinv_ref[...] = dinv


def _tc1(h1, d0, d1):
    return pl.pallas_call(
        _tc1_body,
        grid=(_GRID,),
        in_specs=[
            pl.BlockSpec((_BLK, D_HID), lambda i: (i, 0)),
            pl.BlockSpec((_BLK, 1), lambda i: (i, 0)),
            pl.BlockSpec((_BLK, 1), lambda i: (i, 0)),
        ],
        out_specs=[
            pl.BlockSpec((_BLK, DW), lambda i: (i, 0)),
            pl.BlockSpec((_BLK, 1), lambda i: (i, 0)),
        ],
        out_shape=[
            jax.ShapeDtypeStruct((N, DW), jnp.float32),
            jax.ShapeDtypeStruct((N, 1), jnp.float32),
        ],
    )(h1, d0, d1)


def _tc2_body(p0_ref, p1_ref, h1s_ref, dinv_ref, b1_ref, w2_ref, h2s_ref):
    dinv = dinv_ref[...]
    t = p0_ref[0] + p1_ref[0] - h1s_ref[...]
    z1 = jnp.maximum(t * dinv + b1_ref[...], 0.0)
    h2 = jnp.dot(z1, w2_ref[...], preferred_element_type=jnp.float32)
    h2s_ref[...] = h2 * dinv


def _tc2(p, h1s, dinv, b1, w2):
    return pl.pallas_call(
        _tc2_body,
        grid=(_GRID,),
        in_specs=[
            pl.BlockSpec((1, _BLK, DW), lambda i: (0, i, 0)),
            pl.BlockSpec((1, _BLK, DW), lambda i: (1, i, 0)),
            pl.BlockSpec((_BLK, DW), lambda i: (i, 0)),
            pl.BlockSpec((_BLK, 1), lambda i: (i, 0)),
            pl.BlockSpec((1, D_HID), lambda i: (0, 0)),
            pl.BlockSpec((D_HID, D_HID), lambda i: (0, 0)),
        ],
        out_specs=pl.BlockSpec((_BLK, DW), lambda i: (i, 0)),
        out_shape=jax.ShapeDtypeStruct((N, DW), jnp.float32),
    )(p, p, h1s, dinv, b1, w2)


_BPAD = 24


def _tc3_body(q0_ref, q1_ref, h2s_ref, dinv_ref, b2_ref, batch_ref,
              out_ref, acc_ref):
    i = pl.program_id(0)
    z2 = jnp.maximum(
        (q0_ref[0] + q1_ref[0] - h2s_ref[...]) * dinv_ref[...]
        + b2_ref[...], 0.0)
    bb = batch_ref[0]
    iot = lax.broadcasted_iota(jnp.int32, (_BPAD, _BLK), 0)
    onehot = (iot == bb).astype(jnp.float32)
    part = jnp.dot(onehot, z2, preferred_element_type=jnp.float32)

    @pl.when(i == 0)
    def _():
        acc_ref[...] = part

    @pl.when(i > 0)
    def _():
        acc_ref[...] = acc_ref[...] + part

    @pl.when(i == _GRID - 1)
    def _():
        out_ref[...] = acc_ref[0:N_GRAPHS, :] * (1.0 / N_CLUSTERS)


def _tc3(q, h2s, dinv, b2, batch3d):
    return pl.pallas_call(
        _tc3_body,
        grid=(_GRID,),
        in_specs=[
            pl.BlockSpec((1, _BLK, DW), lambda i: (0, i, 0)),
            pl.BlockSpec((1, _BLK, DW), lambda i: (1, i, 0)),
            pl.BlockSpec((_BLK, DW), lambda i: (i, 0)),
            pl.BlockSpec((_BLK, 1), lambda i: (i, 0)),
            pl.BlockSpec((1, D_HID), lambda i: (0, 0)),
            pl.BlockSpec((1, 1, _BLK), lambda i: (i, 0, 0)),
        ],
        out_specs=pl.BlockSpec((N_GRAPHS, D_HID), lambda i: (0, 0)),
        out_shape=jax.ShapeDtypeStruct((N_GRAPHS, D_HID), jnp.float32),
        scratch_shapes=[pltpu.VMEM((_BPAD, D_HID), jnp.float32)],
    )(q, q, h2s, dinv, b2, batch3d)


def kernel(x, edge_index, batch, W1, b1, W2, b2, W3, b3, W4, b4):
    edges = edge_index.reshape(2, NW, NCH, CHUNK)

    h1 = _tc0(x, W1)
    deg = _sc_degree(edges)
    d0 = deg[0, 0, :N].reshape(N, 1)
    d1 = deg[1, 0, :N].reshape(N, 1)
    h1s, dinv = _tc1(h1, d0, d1)

    p = _sc_agg(h1s, edges)
    h2s = _tc2(p, h1s, dinv, b1.reshape(1, D_HID), W2)

    q = _sc_agg(h2s, edges)
    out = _tc3(q, h2s, dinv, b2.reshape(1, D_HID),
               batch.reshape(_GRID, 1, _BLK))
    return out

# --- scband reference (transcript-rebuilt; emitter-appended) ---
"""Pipeline reference for scband-gnndiff-pool-27333171872313 (READ-ONLY COPY).

The authoritative reference and input builder live on the scoring server;
editing this copy changes nothing except your own understanding.
"""

import jax, jax.numpy as jnp
import numpy as np

N_NODES = 10000
N_EDGES = 320000
D_IN = 128
D_HID = 64
N_CLUSTERS = 25
N_GRAPHS = 20


def _exclusive_cumsum(c):
    return jnp.concatenate([jnp.zeros((1,), c.dtype), jnp.cumsum(c)[:-1]])


def setup_inputs(seed: int = 0):
    key = jax.random.key(seed)
    ks = jax.random.split(key, 16)
    x = jax.random.normal(ks[0], (N_NODES, D_IN), dtype=jnp.float32)
    batch = jnp.sort(jax.random.randint(ks[1], (N_NODES,), 0, N_GRAPHS))
    counts = jnp.bincount(batch, length=N_GRAPHS)
    starts = _exclusive_cumsum(counts).astype(batch.dtype)
    src = jax.random.randint(ks[2], (N_EDGES,), 0, N_NODES)
    g = batch[src]
    r = jax.random.randint(ks[3], (N_EDGES,), 0, N_NODES)
    dst = starts[g] + (r % counts[g])
    edge_index = jnp.stack([src, dst], axis=0)

    def lin(k, fi, fo):
        return jax.random.normal(k, (fi, fo), dtype=jnp.float32) * (1.0 / np.sqrt(fi))

    W1 = lin(ks[4], D_IN, D_HID); b1 = jnp.zeros((D_HID,), jnp.float32)
    W2 = lin(ks[5], D_HID, D_HID); b2 = jnp.zeros((D_HID,), jnp.float32)
    W3 = lin(ks[6], D_IN, D_HID); b3 = jnp.zeros((D_HID,), jnp.float32)
    W4 = lin(ks[7], D_HID, N_CLUSTERS); b4 = jnp.zeros((N_CLUSTERS,), jnp.float32)
    return {"x": x, "edge_index": edge_index, "batch": batch,
            "W1": W1, "b1": b1, "W2": W2, "b2": b2,
            "W3": W3, "b3": b3, "W4": W4, "b4": b4}


def _gcn_conv(x, src, dst, n, W, b):
    # PyG GCNConv: linear transform, add self-loops, symmetric D^-1/2 A D^-1/2 aggregation, bias
    h = x @ W
    loop = jnp.arange(n)
    s2 = jnp.concatenate([src, loop])
    d2 = jnp.concatenate([dst, loop])
    deg = jnp.zeros((n,), h.dtype).at[d2].add(1.0)
    dinv = jnp.where(deg > 0, 1.0 / jnp.sqrt(deg), 0.0)
    norm = dinv[s2] * dinv[d2]
    out = jnp.zeros_like(h).at[d2].add(h[s2] * norm[:, None])
    return out + b


def reference(x, edge_index, batch, W1, b1, W2, b2, W3, b3, W4, b4):
    n = x.shape[0]
    src, dst = edge_index[0], edge_index[1]
    z = jax.nn.relu(_gcn_conv(x, src, dst, n, W1, b1))
    z = jax.nn.relu(_gcn_conv(z, src, dst, n, W2, b2))
    s = jax.nn.relu(_gcn_conv(x, src, dst, n, W3, b3))
    s = jax.nn.softmax(_gcn_conv(s, src, dst, n, W4, b4), axis=-1)
    # to_dense_batch
    counts = jnp.bincount(batch, length=N_GRAPHS)
    starts = _exclusive_cumsum(counts).astype(batch.dtype)
    max_n = n
    local = jnp.arange(n) - starts[batch]
    z_d = jnp.zeros((N_GRAPHS, max_n, z.shape[1]), z.dtype).at[batch, local].set(z)
    s_d = jnp.zeros((N_GRAPHS, max_n, s.shape[1]), s.dtype).at[batch, local].set(s)
    mask = jnp.zeros((N_GRAPHS, max_n), bool).at[batch, local].set(True)
    # to_dense_adj (computed inside dense_diff_pool path; out_adj is discarded by the module)
    ls = src - starts[batch[src]]
    ld = dst - starts[batch[dst]]
    adj = jnp.zeros((N_GRAPHS, max_n, max_n), z.dtype).at[batch[src], ls, ld].add(1.0)
    # dense_diff_pool: applies softmax on s again, masks, pools
    s_d = jax.nn.softmax(s_d, axis=-1)
    m = mask[..., None].astype(z_d.dtype)
    z_d = z_d * m
    s_d = s_d * m
    out = jnp.einsum('bnc,bnd->bcd', s_d, z_d)
    out_adj = jnp.einsum('bnc,bnm,bmk->bck', s_d, adj, s_d)  # unused, faithful to dense_diff_pool
    return out.mean(axis=1)

if __name__ == "__main__":
    import jax
    _d = setup_inputs()
    print(jax.jit(kernel)(*tuple(_d.values())))

</pallas_src>

<mosaic_0001>
#map = affine_map<(d0, d1) -> (0, 0)>
#map1 = affine_map<(d0, d1) -> (0, 0, 0, 0)>
#map2 = affine_map<(d0, d1) -> (0, 0, 0)>
module attributes {stable_mosaic.version = 14 : i64} {
  func.func @_sc_agg(%arg0: i32, %arg1: i32, %arg2: memref<10000x64xf32, #tpu.memory_space<hbm>>, %arg3: memref<2x32x200x50xi32, #tpu.memory_space<hbm>>, %arg4: memref<2x10000x64xf32, #tpu.memory_space<hbm>>, %arg5: memref<40x50xi32, #tpu.memory_space<vmem>>, %arg6: memref<40x50xi32, #tpu.memory_space<vmem>>, %arg7: memref<5x50x64xf32, #tpu.memory_space<vmem>>, %arg8: memref<10000x64xf32, #tpu.memory_space<vmem_shared>>, %arg9: memref<!tpu.dma_semaphore, #tpu.memory_space<semaphore_mem>>, %arg10: memref<!tpu.dma_semaphore, #tpu.memory_space<semaphore_mem>>) attributes {dimension_semantics = [#tpu.dimension_semantics<core_parallel>, #tpu.dimension_semantics<subcore_parallel>], iteration_bounds = array<i64: 2, 16>, scalar_prefetch = 0 : i64, scratch_operands = 6 : i64, tpu.core_type = #tpu.core_type<sc_vector_subcore>, window_params = [{transform_indices = #map}, {transform_indices = #map1}, {transform_indices = #map2}]} {
    %mul3A = arith.constant 16 : i32
    %mul3A_0 = arith.muli %arg0, %mul3A : i32
    %add3A = arith.addi %mul3A_0, %arg1 : i32
    %lt3A = arith.constant 15 : i32
    %lt3A_1 = arith.cmpi slt, %arg1, %lt3A : i32
    %convert_element_type3A = arith.extui %lt3A_1 : i1 to i32
    %cond3A = arith.constant 0 : i32
    %cond3A_2 = arith.cmpi ne, %convert_element_type3A, %cond3A : i32
    scf.if %cond3A_2 {
      %mul3A_34 = arith.constant 640 : i32
      %mul3A_35 = arith.muli %mul3A_34, %arg1 : i32
      %mul3A_36 = arith.constant 640 : i32
      %mul3A_37 = arith.muli %mul3A_36, %arg1 : i32
      %dma_start3A = arith.constant 0 : i32
      %dma_start3A_38 = tpu.memref_slice %arg8[%mul3A_37, %dma_start3A] : memref<10000x64xf32, #tpu.memory_space<vmem_shared>> -> memref<640x64xf32, #tpu.memory_space<vmem_shared>>
      %dma_start3A_39 = arith.constant 0 : i32
      %dma_start3A_40 = tpu.memref_slice %arg2[%mul3A_35, %dma_start3A_39] : memref<10000x64xf32, #tpu.memory_space<hbm>> -> memref<640x64xf32, #tpu.memory_space<hbm>>
      tpu.enqueue_dma source(%dma_start3A_40 : memref<640x64xf32, #tpu.memory_space<hbm>>) target(%dma_start3A_38 : memref<640x64xf32, #tpu.memory_space<vmem_shared>>) target_semaphore(%arg9 : memref<!tpu.dma_semaphore, #tpu.memory_space<semaphore_mem>>)
    } else {
    }
    %eq3A = arith.constant 15 : i32
    %eq3A_3 = arith.cmpi eq, %arg1, %eq3A : i32
    %convert_element_type3A_4 = arith.extui %eq3A_3 : i1 to i32
    %cond3A_5 = arith.constant 0 : i32
    %cond3A_6 = arith.cmpi ne, %convert_element_type3A_4, %cond3A_5 : i32
    scf.if %cond3A_6 {
      %dma_start3A = arith.constant 9600 : i32
      %dma_start3A_34 = arith.constant 0 : i32
      %dma_start3A_35 = tpu.memref_slice %arg8[%dma_start3A, %dma_start3A_34] : memref<10000x64xf32, #tpu.memory_space<vmem_shared>> -> memref<400x64xf32, #tpu.memory_space<vmem_shared>>
      %dma_start3A_36 = arith.constant 9600 : i32
      %dma_start3A_37 = arith.constant 0 : i32
      %dma_start3A_38 = tpu.memref_slice %arg2[%dma_start3A_36, %dma_start3A_37] : memref<10000x64xf32, #tpu.memory_space<hbm>> -> memref<400x64xf32, #tpu.memory_space<hbm>>
      tpu.enqueue_dma source(%dma_start3A_38 : memref<400x64xf32, #tpu.memory_space<hbm>>) target(%dma_start3A_35 : memref<400x64xf32, #tpu.memory_space<vmem_shared>>) target_semaphore(%arg9 : memref<!tpu.dma_semaphore, #tpu.memory_space<semaphore_mem>>)
    } else {
    }
    %run_scoped3A = arith.constant 0 : i32
    "tpu.region"() ({
      %run_scoped3A_34 = tpu.sem_alloc : memref<!tpu.dma_semaphore, #tpu.memory_space<semaphore_mem>>
      %dma_start3A = arith.constant 0 : i32
      %dma_start3A_35 = arith.constant 0 : i32
      %dma_start3A_36 = tpu.memref_slice %arg3[%run_scoped3A, %add3A, %dma_start3A, %dma_start3A_35] : memref<2x32x200x50xi32, #tpu.memory_space<hbm>> -> memref<1x1x40x50xi32, #tpu.memory_space<hbm>>
      %dma_start3A_37 = tpu.memref_squeeze %dma_start3A_36 : memref<1x1x40x50xi32, #tpu.memory_space<hbm>> -> memref<40x50xi32, #tpu.memory_space<hbm>>
      %dma_start3A_38 = arith.constant 0 : i32
      %dma_start3A_39 = arith.constant 0 : i32
      %dma_start3A_40 = tpu.memref_slice %arg3[%run_scoped3A, %add3A, %dma_start3A_38, %dma_start3A_39] : memref<2x32x200x50xi32, #tpu.memory_space<hbm>> -> memref<1x1x40x50xi32, #tpu.memory_space<hbm>>
      %dma_start3A_41 = tpu.memref_squeeze %dma_start3A_40 : memref<1x1x40x50xi32, #tpu.memory_space<hbm>> -> memref<40x50xi32, #tpu.memory_space<hbm>>
      tpu.enqueue_dma source(%dma_start3A_41 : memref<40x50xi32, #tpu.memory_space<hbm>>) target(%arg5 : memref<40x50xi32, #tpu.memory_space<vmem>>) target_semaphore(%run_scoped3A_34 : memref<!tpu.dma_semaphore, #tpu.memory_space<semaphore_mem>>)
      %dma_wait3A = arith.constant 0 : i32
      %dma_wait3A_42 = arith.constant 0 : i32
      %dma_wait3A_43 = tpu.memref_slice %arg3[%run_scoped3A, %add3A, %dma_wait3A, %dma_wait3A_42] : memref<2x32x200x50xi32, #tpu.memory_space<hbm>> -> memref<1x1x40x50xi32, #tpu.memory_space<hbm>>
      %dma_wait3A_44 = tpu.memref_squeeze %dma_wait3A_43 : memref<1x1x40x50xi32, #tpu.memory_space<hbm>> -> memref<40x50xi32, #tpu.memory_space<hbm>>
      %dma_wait3A_45 = arith.constant 0 : i32
      %dma_wait3A_46 = arith.constant 0 : i32
      %dma_wait3A_47 = tpu.memref_slice %arg3[%run_scoped3A, %add3A, %dma_wait3A_45, %dma_wait3A_46] : memref<2x32x200x50xi32, #tpu.memory_space<hbm>> -> memref<1x1x40x50xi32, #tpu.memory_space<hbm>>
      %dma_wait3A_48 = tpu.memref_squeeze %dma_wait3A_47 : memref<1x1x40x50xi32, #tpu.memory_space<hbm>> -> memref<40x50xi32, #tpu.memory_space<hbm>>
      tpu.wait_dma2 semaphore(%run_scoped3A_34 : memref<!tpu.dma_semaphore, #tpu.memory_space<semaphore_mem>>) src(%dma_wait3A_48 : memref<40x50xi32, #tpu.memory_space<hbm>>) dst(%arg5 : memref<40x50xi32, #tpu.memory_space<vmem>>)
      tpu.yield
    }) : () -> ()
    %run_scoped3A_7 = arith.constant 1 : i32
    "tpu.region"() ({
      %run_scoped3A_34 = tpu.sem_alloc : memref<!tpu.dma_semaphore, #tpu.memory_space<semaphore_mem>>
      %dma_start3A = arith.constant 0 : i32
      %dma_start3A_35 = arith.constant 0 : i32
      %dma_start3A_36 = tpu.memref_slice %arg3[%run_scoped3A_7, %add3A, %dma_start3A, %dma_start3A_35] : memref<2x32x200x50xi32, #tpu.memory_space<hbm>> -> memref<1x1x40x50xi32, #tpu.memory_space<hbm>>
      %dma_start3A_37 = tpu.memref_squeeze %dma_start3A_36 : memref<1x1x40x50xi32, #tpu.memory_space<hbm>> -> memref<40x50xi32, #tpu.memory_space<hbm>>
      %dma_start3A_38 = arith.constant 0 : i32
      %dma_start3A_39 = arith.constant 0 : i32
      %dma_start3A_40 = tpu.memref_slice %arg3[%run_scoped3A_7, %add3A, %dma_start3A_38, %dma_start3A_39] : memref<2x32x200x50xi32, #tpu.memory_space<hbm>> -> memref<1x1x40x50xi32, #tpu.memory_space<hbm>>
      %dma_start3A_41 = tpu.memref_squeeze %dma_start3A_40 : memref<1x1x40x50xi32, #tpu.memory_space<hbm>> -> memref<40x50xi32, #tpu.memory_space<hbm>>
      tpu.enqueue_dma source(%dma_start3A_41 : memref<40x50xi32, #tpu.memory_space<hbm>>) target(%arg6 : memref<40x50xi32, #tpu.memory_space<vmem>>) target_semaphore(%run_scoped3A_34 : memref<!tpu.dma_semaphore, #tpu.memory_space<semaphore_mem>>)
      %dma_wait3A = arith.constant 0 : i32
      %dma_wait3A_42 = arith.constant 0 : i32
      %dma_wait3A_43 = tpu.memref_slice %arg3[%run_scoped3A_7, %add3A, %dma_wait3A, %dma_wait3A_42] : memref<2x32x200x50xi32, #tpu.memory_space<hbm>> -> memref<1x1x40x50xi32, #tpu.memory_space<hbm>>
      %dma_wait3A_44 = tpu.memref_squeeze %dma_wait3A_43 : memref<1x1x40x50xi32, #tpu.memory_space<hbm>> -> memref<40x50xi32, #tpu.memory_space<hbm>>
      %dma_wait3A_45 = arith.constant 0 : i32
      %dma_wait3A_46 = arith.constant 0 : i32
      %dma_wait3A_47 = tpu.memref_slice %arg3[%run_scoped3A_7, %add3A, %dma_wait3A_45, %dma_wait3A_46] : memref<2x32x200x50xi32, #tpu.memory_space<hbm>> -> memref<1x1x40x50xi32, #tpu.memory_space<hbm>>
      %dma_wait3A_48 = tpu.memref_squeeze %dma_wait3A_47 : memref<1x1x40x50xi32, #tpu.memory_space<hbm>> -> memref<40x50xi32, #tpu.memory_space<hbm>>
      tpu.wait_dma2 semaphore(%run_scoped3A_34 : memref<!tpu.dma_semaphore, #tpu.memory_space<semaphore_mem>>) src(%dma_wait3A_48 : memref<40x50xi32, #tpu.memory_space<hbm>>) dst(%arg6 : memref<40x50xi32, #tpu.memory_space<vmem>>)
      tpu.yield
    }) : () -> ()
    %lt3A_8 = arith.constant 15 : i32
    %lt3A_9 = arith.cmpi slt, %arg1, %lt3A_8 : i32
    %convert_element_type3A_10 = arith.extui %lt3A_9 : i1 to i32
    %cond3A_11 = arith.constant 0 : i32
    %cond3A_12 = arith.cmpi ne, %convert_element_type3A_10, %cond3A_11 : i32
    scf.if %cond3A_12 {
      %mul3A_34 = arith.constant 640 : i32
      %mul3A_35 = arith.muli %mul3A_34, %arg1 : i32
      %mul3A_36 = arith.constant 640 : i32
      %mul3A_37 = arith.muli %mul3A_36, %arg1 : i32
      %dma_wait3A = arith.constant 0 : i32
      %dma_wait3A_38 = tpu.memref_slice %arg8[%mul3A_37, %dma_wait3A] : memref<10000x64xf32, #tpu.memory_space<vmem_shared>> -> memref<640x64xf32, #tpu.memory_space<vmem_shared>>
      %dma_wait3A_39 = arith.constant 0 : i32
      %dma_wait3A_40 = tpu.memref_slice %arg2[%mul3A_35, %dma_wait3A_39] : memref<10000x64xf32, #tpu.memory_space<hbm>> -> memref<640x64xf32, #tpu.memory_space<hbm>>
      tpu.wait_dma2 semaphore(%arg9 : memref<!tpu.dma_semaphore, #tpu.memory_space<semaphore_mem>>) src(%dma_wait3A_40 : memref<640x64xf32, #tpu.memory_space<hbm>>) dst(%dma_wait3A_38 : memref<640x64xf32, #tpu.memory_space<vmem_shared>>)
    } else {
    }
    %eq3A_13 = arith.constant 15 : i32
    %eq3A_14 = arith.cmpi eq, %arg1, %eq3A_13 : i32
    %convert_element_type3A_15 = arith.extui %eq3A_14 : i1 to i32
    %cond3A_16 = arith.constant 0 : i32
    %cond3A_17 = arith.cmpi ne, %convert_element_type3A_15, %cond3A_16 : i32
    scf.if %cond3A_17 {
      %dma_wait3A = arith.constant 9600 : i32
      %dma_wait3A_34 = arith.constant 0 : i32
      %dma_wait3A_35 = tpu.memref_slice %arg8[%dma_wait3A, %dma_wait3A_34] : memref<10000x64xf32, #tpu.memory_space<vmem_shared>> -> memref<400x64xf32, #tpu.memory_space<vmem_shared>>
      %dma_wait3A_36 = arith.constant 9600 : i32
      %dma_wait3A_37 = arith.constant 0 : i32
      %dma_wait3A_38 = tpu.memref_slice %arg2[%dma_wait3A_36, %dma_wait3A_37] : memref<10000x64xf32, #tpu.memory_space<hbm>> -> memref<400x64xf32, #tpu.memory_space<hbm>>
      tpu.wait_dma2 semaphore(%arg9 : memref<!tpu.dma_semaphore, #tpu.memory_space<semaphore_mem>>) src(%dma_wait3A_38 : memref<400x64xf32, #tpu.memory_space<hbm>>) dst(%dma_wait3A_35 : memref<400x64xf32, #tpu.memory_space<vmem_shared>>)
    } else {
    }
    %barrier3A = arith.constant 0 : index
    tpu.barrier barrier_id(%barrier3A)
    %scan3A = arith.constant 0 : i32
    %scan3A_18 = arith.constant 0 : i32
    %scan3A_19 = arith.constant 5 : i32
    %scan3A_20 = arith.addi %scan3A_18, %scan3A_19 : i32
    %scan3A_21 = arith.constant 1 : i32
    scf.for %scan3A_34 = %scan3A_18 to %scan3A_20 step %scan3A_21  : i32 {
      %gt3A = arith.constant 0 : i32
      %gt3A_35 = arith.cmpi sgt, %scan3A_34, %gt3A : i32
      %convert_element_type3A_36 = arith.extui %gt3A_35 : i1 to i32
      %cond3A_37 = arith.constant 0 : i32
      %cond3A_38 = arith.cmpi ne, %convert_element_type3A_36, %cond3A_37 : i32
      scf.if %cond3A_38 {
        %mul3A_103 = arith.constant 40 : i32
        %mul3A_104 = arith.muli %mul3A_103, %scan3A_34 : i32
        %run_scoped3A_105 = arith.constant 0 : i32
        "tpu.region"() ({
          %run_scoped3A_109 = tpu.sem_alloc : memref<!tpu.dma_semaphore, #tpu.memory_space<semaphore_mem>>
          %dma_start3A_110 = arith.constant 0 : i32
          %dma_start3A_111 = tpu.memref_slice %arg3[%run_scoped3A_105, %add3A, %mul3A_104, %dma_start3A_110] : memref<2x32x200x50xi32, #tpu.memory_space<hbm>> -> memref<1x1x40x50xi32, #tpu.memory_space<hbm>>
          %dma_start3A_112 = tpu.memref_squeeze %dma_start3A_111 : memref<1x1x40x50xi32, #tpu.memory_space<hbm>> -> memref<40x50xi32, #tpu.memory_space<hbm>>
          %dma_start3A_113 = arith.constant 0 : i32
          %dma_start3A_114 = tpu.memref_slice %arg3[%run_scoped3A_105, %add3A, %mul3A_104, %dma_start3A_113] : memref<2x32x200x50xi32, #tpu.memory_space<hbm>> -> memref<1x1x40x50xi32, #tpu.memory_space<hbm>>
          %dma_start3A_115 = tpu.memref_squeeze %dma_start3A_114 : memref<1x1x40x50xi32, #tpu.memory_space<hbm>> -> memref<40x50xi32, #tpu.memory_space<hbm>>
          tpu.enqueue_dma source(%dma_start3A_115 : memref<40x50xi32, #tpu.memory_space<hbm>>) target(%arg5 : memref<40x50xi32, #tpu.memory_space<vmem>>) target_semaphore(%run_scoped3A_109 : memref<!tpu.dma_semaphore, #tpu.memory_space<semaphore_mem>>)
          %dma_wait3A_116 = arith.constant 0 : i32
          %dma_wait3A_117 = tpu.memref_slice %arg3[%run_scoped3A_105, %add3A, %mul3A_104, %dma_wait3A_116] : memref<2x32x200x50xi32, #tpu.memory_space<hbm>> -> memref<1x1x40x50xi32, #tpu.memory_space<hbm>>
          %dma_wait3A_118 = tpu.memref_squeeze %dma_wait3A_117 : memref<1x1x40x50xi32, #tpu.memory_space<hbm>> -> memref<40x50xi32, #tpu.memory_space<hbm>>
          %dma_wait3A_119 = arith.constant 0 : i32
          %dma_wait3A_120 = tpu.memref_slice %arg3[%run_scoped3A_105, %add3A, %mul3A_104, %dma_wait3A_119] : memref<2x32x200x50xi32, #tpu.memory_space<hbm>> -> memref<1x1x40x50xi32, #tpu.memory_space<hbm>>
          %dma_wait3A_121 = tpu.memref_squeeze %dma_wait3A_120 : memref<1x1x40x50xi32, #tpu.memory_space<hbm>> -> memref<40x50xi32, #tpu.memory_space<hbm>>
          tpu.wait_dma2 semaphore(%run_scoped3A_109 : memref<!tpu.dma_semaphore, #tpu.memory_space<semaphore_mem>>) src(%dma_wait3A_121 : memref<40x50xi32, #tpu.memory_space<hbm>>) dst(%arg5 : memref<40x50xi32, #tpu.memory_space<vmem>>)
          tpu.yield
        }) : () -> ()
        %mul3A_106 = arith.constant 40 : i32
        %mul3A_107 = arith.muli %mul3A_106, %scan3A_34 : i32
        %run_scoped3A_108 = arith.constant 1 : i32
        "tpu.region"() ({
          %run_scoped3A_109 = tpu.sem_alloc : memref<!tpu.dma_semaphore, #tpu.memory_space<semaphore_mem>>
          %dma_start3A_110 = arith.constant 0 : i32
          %dma_start3A_111 = tpu.memref_slice %arg3[%run_scoped3A_108, %add3A, %mul3A_107, %dma_start3A_110] : memref<2x32x200x50xi32, #tpu.memory_space<hbm>> -> memref<1x1x40x50xi32, #tpu.memory_space<hbm>>
          %dma_start3A_112 = tpu.memref_squeeze %dma_start3A_111 : memref<1x1x40x50xi32, #tpu.memory_space<hbm>> -> memref<40x50xi32, #tpu.memory_space<hbm>>
          %dma_start3A_113 = arith.constant 0 : i32
          %dma_start3A_114 = tpu.memref_slice %arg3[%run_scoped3A_108, %add3A, %mul3A_107, %dma_start3A_113] : memref<2x32x200x50xi32, #tpu.memory_space<hbm>> -> memref<1x1x40x50xi32, #tpu.memory_space<hbm>>
          %dma_start3A_115 = tpu.memref_squeeze %dma_start3A_114 : memref<1x1x40x50xi32, #tpu.memory_space<hbm>> -> memref<40x50xi32, #tpu.memory_space<hbm>>
          tpu.enqueue_dma source(%dma_start3A_115 : memref<40x50xi32, #tpu.memory_space<hbm>>) target(%arg6 : memref<40x50xi32, #tpu.memory_space<vmem>>) target_semaphore(%run_scoped3A_109 : memref<!tpu.dma_semaphore, #tpu.memory_space<semaphore_mem>>)
          %dma_wait3A_116 = arith.constant 0 : i32
          %dma_wait3A_117 = tpu.memref_slice %arg3[%run_scoped3A_108, %add3A, %mul3A_107, %dma_wait3A_116] : memref<2x32x200x50xi32, #tpu.memory_space<hbm>> -> memref<1x1x40x50xi32, #tpu.memory_space<hbm>>
          %dma_wait3A_118 = tpu.memref_squeeze %dma_wait3A_117 : memref<1x1x40x50xi32, #tpu.memory_space<hbm>> -> memref<40x50xi32, #tpu.memory_space<hbm>>
          %dma_wait3A_119 = arith.constant 0 : i32
          %dma_wait3A_120 = tpu.memref_slice %arg3[%run_scoped3A_108, %add3A, %mul3A_107, %dma_wait3A_119] : memref<2x32x200x50xi32, #tpu.memory_space<hbm>> -> memref<1x1x40x50xi32, #tpu.memory_space<hbm>>
          %dma_wait3A_121 = tpu.memref_squeeze %dma_wait3A_120 : memref<1x1x40x50xi32, #tpu.memory_space<hbm>> -> memref<40x50xi32, #tpu.memory_space<hbm>>
          tpu.wait_dma2 semaphore(%run_scoped3A_109 : memref<!tpu.dma_semaphore, #tpu.memory_space<semaphore_mem>>) src(%dma_wait3A_121 : memref<40x50xi32, #tpu.memory_space<hbm>>) dst(%arg6 : memref<40x50xi32, #tpu.memory_space<vmem>>)
          tpu.yield
        }) : () -> ()
      } else {
      }
      %dma_start3A = arith.constant 0 : i32
      %dma_start3A_39 = arith.constant 0 : i32
      %dma_start3A_40 = arith.constant 0 : i32
      %dma_start3A_41 = arith.constant 0 : i32
      %dma_start3A_42 = tpu.memref_slice %arg7[%dma_start3A_39, %dma_start3A_40, %dma_start3A_41] : memref<5x50x64xf32, #tpu.memory_space<vmem>> -> memref<1x50x64xf32, #tpu.memory_space<vmem>>
      %dma_start3A_43 = tpu.memref_squeeze %dma_start3A_42 : memref<1x50x64xf32, #tpu.memory_space<vmem>> -> memref<50x64xf32, #tpu.memory_space<vmem>>
      %dma_start3A_44 = arith.constant 0 : i32
      %dma_start3A_45 = tpu.memref_slice %arg5[%dma_start3A, %dma_start3A_44] : memref<40x50xi32, #tpu.memory_space<vmem>> -> memref<1x50xi32, #tpu.memory_space<vmem>>
      %dma_start3A_46 = tpu.memref_squeeze %dma_start3A_45 : memref<1x50xi32, #tpu.memory_space<vmem>> -> memref<50xi32, #tpu.memory_space<vmem>>
      %dma_start3A_47 = arith.constant 0 : i32
      %dma_start3A_48 = arith.constant 0 : i32
      %dma_start3A_49 = tpu.memref_slice %arg2[%dma_start3A_47, %dma_start3A_48] : memref<10000x64xf32, #tpu.memory_space<hbm>> -> memref<10000x64xf32, #tpu.memory_space<hbm>>
      tpu.enqueue_indirect_dma source(%dma_start3A_49 : memref<10000x64xf32, #tpu.memory_space<hbm>>) target(%dma_start3A_43 : memref<50x64xf32, #tpu.memory_space<vmem>>) offsets(%dma_start3A_46 : memref<50xi32, #tpu.memory_space<vmem>>) semaphore(%arg9 : memref<!tpu.dma_semaphore, #tpu.memory_space<semaphore_mem>>)
      %dma_start3A_50 = arith.constant 1 : i32
      %dma_start3A_51 = arith.constant 1 : i32
      %dma_start3A_52 = arith.constant 0 : i32
      %dma_start3A_53 = arith.constant 0 : i32
      %dma_start3A_54 = tpu.memref_slice %arg7[%dma_start3A_51, %dma_start3A_52, %dma_start3A_53] : memref<5x50x64xf32, #tpu.memory_space<vmem>> -> memref<1x50x64xf32, #tpu.memory_space<vmem>>
      %dma_start3A_55 = tpu.memref_squeeze %dma_start3A_54 : memref<1x50x64xf32, #tpu.memory_space<vmem>> -> memref<50x64xf32, #tpu.memory_space<vmem>>
      %dma_start3A_56 = arith.constant 0 : i32
      %dma_start3A_57 = tpu.memref_slice %arg5[%dma_start3A_50, %dma_start3A_56] : memref<40x50xi32, #tpu.memory_space<vmem>> -> memref<1x50xi32, #tpu.memory_space<vmem>>
      %dma_start3A_58 = tpu.memref_squeeze %dma_start3A_57 : memref<1x50xi32, #tpu.memory_space<vmem>> -> memref<50xi32, #tpu.memory_space<vmem>>
      %dma_start3A_59 = arith.constant 0 : i32
      %dma_start3A_60 = arith.constant 0 : i32
      %dma_start3A_61 = tpu.memref_slice %arg2[%dma_start3A_59, %dma_start3A_60] : memref<10000x64xf32, #tpu.memory_space<hbm>> -> memref<10000x64xf32, #tpu.memory_space<hbm>>
      tpu.enqueue_indirect_dma source(%dma_start3A_61 : memref<10000x64xf32, #tpu.memory_space<hbm>>) target(%dma_start3A_55 : memref<50x64xf32, #tpu.memory_space<vmem>>) offsets(%dma_start3A_58 : memref<50xi32, #tpu.memory_space<vmem>>) semaphore(%arg9 : memref<!tpu.dma_semaphore, #tpu.memory_space<semaphore_mem>>)
      %dma_start3A_62 = arith.constant 2 : i32
      %dma_start3A_63 = arith.constant 2 : i32
      %dma_start3A_64 = arith.constant 0 : i32
      %dma_start3A_65 = arith.constant 0 : i32
      %dma_start3A_66 = tpu.memref_slice %arg7[%dma_start3A_63, %dma_start3A_64, %dma_start3A_65] : memref<5x50x64xf32, #tpu.memory_space<vmem>> -> memref<1x50x64xf32, #tpu.memory_space<vmem>>
      %dma_start3A_67 = tpu.memref_squeeze %dma_start3A_66 : memref<1x50x64xf32, #tpu.memory_space<vmem>> -> memref<50x64xf32, #tpu.memory_space<vmem>>
      %dma_start3A_68 = arith.constant 0 : i32
      %dma_start3A_69 = tpu.memref_slice %arg5[%dma_start3A_62, %dma_start3A_68] : memref<40x50xi32, #tpu.memory_space<vmem>> -> memref<1x50xi32, #tpu.memory_space<vmem>>
      %dma_start3A_70 = tpu.memref_squeeze %dma_start3A_69 : memref<1x50xi32, #tpu.memory_space<vmem>> -> memref<50xi32, #tpu.memory_space<vmem>>
      %dma_start3A_71 = arith.constant 0 : i32
      %dma_start3A_72 = arith.constant 0 : i32
      %dma_start3A_73 = tpu.memref_slice %arg2[%dma_start3A_71, %dma_start3A_72] : memref<10000x64xf32, #tpu.memory_space<hbm>> -> memref<10000x64xf32, #tpu.memory_space<hbm>>
      tpu.enqueue_indirect_dma source(%dma_start3A_73 : memref<10000x64xf32, #tpu.memory_space<hbm>>) target(%dma_start3A_67 : memref<50x64xf32, #tpu.memory_space<vmem>>) offsets(%dma_start3A_70 : memref<50xi32, #tpu.memory_space<vmem>>) semaphore(%arg9 : memref<!tpu.dma_semaphore, #tpu.memory_space<semaphore_mem>>)
      %dma_start3A_74 = arith.constant 3 : i32
      %dma_start3A_75 = arith.constant 3 : i32
      %dma_start3A_76 = arith.constant 0 : i32
      %dma_start3A_77 = arith.constant 0 : i32
      %dma_start3A_78 = tpu.memref_slice %arg7[%dma_start3A_75, %dma_start3A_76, %dma_start3A_77] : memref<5x50x64xf32, #tpu.memory_space<vmem>> -> memref<1x50x64xf32, #tpu.memory_space<vmem>>
      %dma_start3A_79 = tpu.memref_squeeze %dma_start3A_78 : memref<1x50x64xf32, #tpu.memory_space<vmem>> -> memref<50x64xf32, #tpu.memory_space<vmem>>
      %dma_start3A_80 = arith.constant 0 : i32
      %dma_start3A_81 = tpu.memref_slice %arg5[%dma_start3A_74, %dma_start3A_80] : memref<40x50xi32, #tpu.memory_space<vmem>> -> memref<1x50xi32, #tpu.memory_space<vmem>>
      %dma_start3A_82 = tpu.memref_squeeze %dma_start3A_81 : memref<1x50xi32, #tpu.memory_space<vmem>> -> memref<50xi32, #tpu.memory_space<vmem>>
      %dma_start3A_83 = arith.constant 0 : i32
      %dma_start3A_84 = arith.constant 0 : i32
      %dma_start3A_85 = tpu.memref_slice %arg2[%dma_start3A_83, %dma_start3A_84] : memref<10000x64xf32, #tpu.memory_space<hbm>> -> memref<10000x64xf32, #tpu.memory_space<hbm>>
      tpu.enqueue_indirect_dma source(%dma_start3A_85 : memref<10000x64xf32, #tpu.memory_space<hbm>>) target(%dma_start3A_79 : memref<50x64xf32, #tpu.memory_space<vmem>>) offsets(%dma_start3A_82 : memref<50xi32, #tpu.memory_space<vmem>>) semaphore(%arg9 : memref<!tpu.dma_semaphore, #tpu.memory_space<semaphore_mem>>)
      %scan3A_86 = arith.constant 0 : i32
      %scan3A_87 = arith.constant 0 : i32
      %scan3A_88 = arith.constant 40 : i32
      %scan3A_89 = arith.addi %scan3A_87, %scan3A_88 : i32
      %scan3A_90 = arith.constant 1 : i32
      scf.for %scan3A_103 = %scan3A_87 to %scan3A_89 step %scan3A_90  : i32 {
        %rem3A = arith.constant 5 : i32
        %rem3A_104 = arith.remsi %scan3A_103, %rem3A : i32
        %dma_wait3A_105 = arith.constant 0 : i32
        %dma_wait3A_106 = arith.constant 0 : i32
        %dma_wait3A_107 = tpu.memref_slice %arg7[%rem3A_104, %dma_wait3A_105, %dma_wait3A_106] : memref<5x50x64xf32, #tpu.memory_space<vmem>> -> memref<1x50x64xf32, #tpu.memory_space<vmem>>
        %dma_wait3A_108 = tpu.memref_squeeze %dma_wait3A_107 : memref<1x50x64xf32, #tpu.memory_space<vmem>> -> memref<50x64xf32, #tpu.memory_space<vmem>>
        %dma_wait3A_109 = arith.constant 0 : i32
        %dma_wait3A_110 = tpu.memref_slice %arg5[%scan3A_103, %dma_wait3A_109] : memref<40x50xi32, #tpu.memory_space<vmem>> -> memref<1x50xi32, #tpu.memory_space<vmem>>
        %dma_wait3A_111 = tpu.memref_squeeze %dma_wait3A_110 : memref<1x50xi32, #tpu.memory_space<vmem>> -> memref<50xi32, #tpu.memory_space<vmem>>
        %dma_wait3A_112 = arith.constant 0 : i32
        %dma_wait3A_113 = arith.constant 0 : i32
        %dma_wait3A_114 = tpu.memref_slice %arg2[%dma_wait3A_112, %dma_wait3A_113] : memref<10000x64xf32, #tpu.memory_space<hbm>> -> memref<10000x64xf32, #tpu.memory_space<hbm>>
        tpu.wait_indirect_dma semaphore(%arg9 : memref<!tpu.dma_semaphore, #tpu.memory_space<semaphore_mem>>) src(%dma_wait3A_114 : memref<10000x64xf32, #tpu.memory_space<hbm>>) dst(%dma_wait3A_108 : memref<50x64xf32, #tpu.memory_space<vmem>>)
        %dma_start3A_115 = arith.constant 0 : i32
        %dma_start3A_116 = arith.constant 0 : i32
        %dma_start3A_117 = tpu.memref_slice %arg7[%rem3A_104, %dma_start3A_115, %dma_start3A_116] : memref<5x50x64xf32, #tpu.memory_space<vmem>> -> memref<1x50x64xf32, #tpu.memory_space<vmem>>
        %dma_start3A_118 = tpu.memref_squeeze %dma_start3A_117 : memref<1x50x64xf32, #tpu.memory_space<vmem>> -> memref<50x64xf32, #tpu.memory_space<vmem>>
        %dma_start3A_119 = arith.constant 0 : i32
        %dma_start3A_120 = tpu.memref_slice %arg6[%scan3A_103, %dma_start3A_119] : memref<40x50xi32, #tpu.memory_space<vmem>> -> memref<1x50xi32, #tpu.memory_space<vmem>>
        %dma_start3A_121 = tpu.memref_squeeze %dma_start3A_120 : memref<1x50xi32, #tpu.memory_space<vmem>> -> memref<50xi32, #tpu.memory_space<vmem>>
        %dma_start3A_122 = arith.constant 0 : i32
        %dma_start3A_123 = arith.constant 0 : i32
        %dma_start3A_124 = tpu.memref_slice %arg8[%dma_start3A_122, %dma_start3A_123] : memref<10000x64xf32, #tpu.memory_space<vmem_shared>> -> memref<10000x64xf32, #tpu.memory_space<vmem_shared>>
        tpu.enqueue_indirect_dma source(%dma_start3A_118 : memref<50x64xf32, #tpu.memory_space<vmem>>) target(%dma_start3A_124 : memref<10000x64xf32, #tpu.memory_space<vmem_shared>>) offsets(%dma_start3A_121 : memref<50xi32, #tpu.memory_space<vmem>>) semaphore(%arg10 : memref<!tpu.dma_semaphore, #tpu.memory_space<semaphore_mem>>) {add = true}
        %gt3A_125 = arith.constant 0 : i32
        %gt3A_126 = arith.cmpi sgt, %scan3A_103, %gt3A_125 : i32
        %convert_element_type3A_127 = arith.extui %gt3A_126 : i1 to i32
        %cond3A_128 = arith.constant 0 : i32
        %cond3A_129 = arith.cmpi ne, %convert_element_type3A_127, %cond3A_128 : i32
        scf.if %cond3A_129 {
          %dma_wait3A_138 = arith.constant 0 : i32
          %dma_wait3A_139 = arith.constant 0 : i32
          %dma_wait3A_140 = arith.constant 0 : i32
          %dma_wait3A_141 = tpu.memref_slice %arg7[%rem3A_104, %dma_wait3A_139, %dma_wait3A_140] : memref<5x50x64xf32, #tpu.memory_space<vmem>> -> memref<1x50x64xf32, #tpu.memory_space<vmem>>
          %dma_wait3A_142 = tpu.memref_squeeze %dma_wait3A_141 : memref<1x50x64xf32, #tpu.memory_space<vmem>> -> memref<50x64xf32, #tpu.memory_space<vmem>>
          %dma_wait3A_143 = arith.constant 0 : i32
          %dma_wait3A_144 = tpu.memref_slice %arg6[%dma_wait3A_138, %dma_wait3A_143] : memref<40x50xi32, #tpu.memory_space<vmem>> -> memref<1x50xi32, #tpu.memory_space<vmem>>
          %dma_wait3A_145 = tpu.memref_squeeze %dma_wait3A_144 : memref<1x50xi32, #tpu.memory_space<vmem>> -> memref<50xi32, #tpu.memory_space<vmem>>
          %dma_wait3A_146 = arith.constant 0 : i32
          %dma_wait3A_147 = arith.constant 0 : i32
          %dma_wait3A_148 = tpu.memref_slice %arg8[%dma_wait3A_146, %dma_wait3A_147] : memref<10000x64xf32, #tpu.memory_space<vmem_shared>> -> memref<10000x64xf32, #tpu.memory_space<vmem_shared>>
          tpu.wait_indirect_dma semaphore(%arg10 : memref<!tpu.dma_semaphore, #tpu.memory_space<semaphore_mem>>) src(%dma_wait3A_142 : memref<50x64xf32, #tpu.memory_space<vmem>>) dst(%dma_wait3A_148 : memref<10000x64xf32, #tpu.memory_space<vmem_shared>>)
        } else {
        }
        %add3A_130 = arith.constant 5 : i32
        %add3A_131 = arith.addi %scan3A_103, %add3A_130 : i32
        %sub3A = arith.constant 1 : i32
        %sub3A_132 = arith.subi %add3A_131, %sub3A : i32
        %lt3A_133 = arith.constant 40 : i32
        %lt3A_134 = arith.cmpi slt, %sub3A_132, %lt3A_133 : i32
        %convert_element_type3A_135 = arith.extui %lt3A_134 : i1 to i32
        %cond3A_136 = arith.constant 0 : i32
        %cond3A_137 = arith.cmpi ne, %convert_element_type3A_135, %cond3A_136 : i32
        scf.if %cond3A_137 {
          %add3A_138 = arith.constant 5 : i32
          %add3A_139 = arith.addi %scan3A_103, %add3A_138 : i32
          %sub3A_140 = arith.constant 1 : i32
          %sub3A_141 = arith.subi %add3A_139, %sub3A_140 : i32
          %rem3A_142 = arith.constant 5 : i32
          %rem3A_143 = arith.remsi %sub3A_141, %rem3A_142 : i32
          %add3A_144 = arith.constant 5 : i32
          %add3A_145 = arith.addi %scan3A_103, %add3A_144 : i32
          %sub3A_146 = arith.constant 1 : i32
          %sub3A_147 = arith.subi %add3A_145, %sub3A_146 : i32
          %dma_start3A_148 = arith.constant 0 : i32
          %dma_start3A_149 = arith.constant 0 : i32
          %dma_start3A_150 = tpu.memref_slice %arg7[%rem3A_143, %dma_start3A_148, %dma_start3A_149] : memref<5x50x64xf32, #tpu.memory_space<vmem>> -> memref<1x50x64xf32, #tpu.memory_space<vmem>>
          %dma_start3A_151 = tpu.memref_squeeze %dma_start3A_150 : memref<1x50x64xf32, #tpu.memory_space<vmem>> -> memref<50x64xf32, #tpu.memory_space<vmem>>
          %dma_start3A_152 = arith.constant 0 : i32
          %dma_start3A_153 = tpu.memref_slice %arg5[%sub3A_147, %dma_start3A_152] : memref<40x50xi32, #tpu.memory_space<vmem>> -> memref<1x50xi32, #tpu.memory_space<vmem>>
          %dma_start3A_154 = tpu.memref_squeeze %dma_start3A_153 : memref<1x50xi32, #tpu.memory_space<vmem>> -> memref<50xi32, #tpu.memory_space<vmem>>
          %dma_start3A_155 = arith.constant 0 : i32
          %dma_start3A_156 = arith.constant 0 : i32
          %dma_start3A_157 = tpu.memref_slice %arg2[%dma_start3A_155, %dma_start3A_156] : memref<10000x64xf32, #tpu.memory_space<hbm>> -> memref<10000x64xf32, #tpu.memory_space<hbm>>
          tpu.enqueue_indirect_dma source(%dma_start3A_157 : memref<10000x64xf32, #tpu.memory_space<hbm>>) target(%dma_start3A_151 : memref<50x64xf32, #tpu.memory_space<vmem>>) offsets(%dma_start3A_154 : memref<50xi32, #tpu.memory_space<vmem>>) semaphore(%arg9 : memref<!tpu.dma_semaphore, #tpu.memory_space<semaphore_mem>>)
        } else {
        }
      }
      %scan3A_91 = arith.constant 40 : i32
      %dma_wait3A = arith.constant 0 : i32
      %dma_wait3A_92 = arith.constant 0 : i32
      %dma_wait3A_93 = arith.constant 0 : i32
      %dma_wait3A_94 = arith.constant 0 : i32
      %dma_wait3A_95 = tpu.memref_slice %arg7[%dma_wait3A, %dma_wait3A_93, %dma_wait3A_94] : memref<5x50x64xf32, #tpu.memory_space<vmem>> -> memref<1x50x64xf32, #tpu.memory_space<vmem>>
      %dma_wait3A_96 = tpu.memref_squeeze %dma_wait3A_95 : memref<1x50x64xf32, #tpu.memory_space<vmem>> -> memref<50x64xf32, #tpu.memory_space<vmem>>
      %dma_wait3A_97 = arith.constant 0 : i32
      %dma_wait3A_98 = tpu.memref_slice %arg6[%dma_wait3A_92, %dma_wait3A_97] : memref<40x50xi32, #tpu.memory_space<vmem>> -> memref<1x50xi32, #tpu.memory_space<vmem>>
      %dma_wait3A_99 = tpu.memref_squeeze %dma_wait3A_98 : memref<1x50xi32, #tpu.memory_space<vmem>> -> memref<50xi32, #tpu.memory_space<vmem>>
      %dma_wait3A_100 = arith.constant 0 : i32
      %dma_wait3A_101 = arith.constant 0 : i32
      %dma_wait3A_102 = tpu.memref_slice %arg8[%dma_wait3A_100, %dma_wait3A_101] : memref<10000x64xf32, #tpu.memory_space<vmem_shared>> -> memref<10000x64xf32, #tpu.memory_space<vmem_shared>>
      tpu.wait_indirect_dma semaphore(%arg10 : memref<!tpu.dma_semaphore, #tpu.memory_space<semaphore_mem>>) src(%dma_wait3A_96 : memref<50x64xf32, #tpu.memory_space<vmem>>) dst(%dma_wait3A_102 : memref<10000x64xf32, #tpu.memory_space<vmem_shared>>)
    }
    %scan3A_22 = arith.constant 5 : i32
    %barrier3A_23 = arith.constant 0 : index
    tpu.barrier barrier_id(%barrier3A_23)
    %lt3A_24 = arith.constant 15 : i32
    %lt3A_25 = arith.cmpi slt, %arg1, %lt3A_24 : i32
    %convert_element_type3A_26 = arith.extui %lt3A_25 : i1 to i32
    %cond3A_27 = arith.constant 0 : i32
    %cond3A_28 = arith.cmpi ne, %convert_element_type3A_26, %cond3A_27 : i32
    scf.if %cond3A_28 {
      %mul3A_34 = arith.constant 640 : i32
      %mul3A_35 = arith.muli %mul3A_34, %arg1 : i32
      %mul3A_36 = arith.constant 640 : i32
      %mul3A_37 = arith.muli %mul3A_36, %arg1 : i32
      "tpu.region"() ({
        %run_scoped3A_38 = tpu.sem_alloc : memref<!tpu.dma_semaphore, #tpu.memory_space<semaphore_mem>>
        %dma_start3A = arith.constant 0 : i32
        %dma_start3A_39 = tpu.memref_slice %arg4[%arg0, %mul3A_37, %dma_start3A] : memref<2x10000x64xf32, #tpu.memory_space<hbm>> -> memref<1x640x64xf32, #tpu.memory_space<hbm>>
        %dma_start3A_40 = tpu.memref_squeeze %dma_start3A_39 : memref<1x640x64xf32, #tpu.memory_space<hbm>> -> memref<640x64xf32, #tpu.memory_space<hbm>>
        %dma_start3A_41 = arith.constant 0 : i32
        %dma_start3A_42 = tpu.memref_slice %arg8[%mul3A_35, %dma_start3A_41] : memref<10000x64xf32, #tpu.memory_space<vmem_shared>> -> memref<640x64xf32, #tpu.memory_space<vmem_shared>>
        tpu.enqueue_dma source(%dma_start3A_42 : memref<640x64xf32, #tpu.memory_space<vmem_shared>>) target(%dma_start3A_40 : memref<640x64xf32, #tpu.memory_space<hbm>>) target_semaphore(%run_scoped3A_38 : memref<!tpu.dma_semaphore, #tpu.memory_space<semaphore_mem>>)
        %dma_wait3A = arith.constant 0 : i32
        %dma_wait3A_43 = tpu.memref_slice %arg4[%arg0, %mul3A_37, %dma_wait3A] : memref<2x10000x64xf32, #tpu.memory_space<hbm>> -> memref<1x640x64xf32, #tpu.memory_space<hbm>>
        %dma_wait3A_44 = tpu.memref_squeeze %dma_wait3A_43 : memref<1x640x64xf32, #tpu.memory_space<hbm>> -> memref<640x64xf32, #tpu.memory_space<hbm>>
        %dma_wait3A_45 = arith.constant 0 : i32
        %dma_wait3A_46 = tpu.memref_slice %arg8[%mul3A_35, %dma_wait3A_45] : memref<10000x64xf32, #tpu.memory_space<vmem_shared>> -> memref<640x64xf32, #tpu.memory_space<vmem_shared>>
        tpu.wait_dma2 semaphore(%run_scoped3A_38 : memref<!tpu.dma_semaphore, #tpu.memory_space<semaphore_mem>>) src(%dma_wait3A_46 : memref<640x64xf32, #tpu.memory_space<vmem_shared>>) dst(%dma_wait3A_44 : memref<640x64xf32, #tpu.memory_space<hbm>>)
        tpu.yield
      }) : () -> ()
    } else {
    }
    %eq3A_29 = arith.constant 15 : i32
    %eq3A_30 = arith.cmpi eq, %arg1, %eq3A_29 : i32
    %convert_element_type3A_31 = arith.extui %eq3A_30 : i1 to i32
    %cond3A_32 = arith.constant 0 : i32
    %cond3A_33 = arith.cmpi ne, %convert_element_type3A_31, %cond3A_32 : i32
    scf.if %cond3A_33 {
      "tpu.region"() ({
        %run_scoped3A_34 = tpu.sem_alloc : memref<!tpu.dma_semaphore, #tpu.memory_space<semaphore_mem>>
        %dma_start3A = arith.constant 9600 : i32
        %dma_start3A_35 = arith.constant 0 : i32
        %dma_start3A_36 = tpu.memref_slice %arg4[%arg0, %dma_start3A, %dma_start3A_35] : memref<2x10000x64xf32, #tpu.memory_space<hbm>> -> memref<1x400x64xf32, #tpu.memory_space<hbm>>
        %dma_start3A_37 = tpu.memref_squeeze %dma_start3A_36 : memref<1x400x64xf32, #tpu.memory_space<hbm>> -> memref<400x64xf32, #tpu.memory_space<hbm>>
        %dma_start3A_38 = arith.constant 9600 : i32
        %dma_start3A_39 = arith.constant 0 : i32
        %dma_start3A_40 = tpu.memref_slice %arg8[%dma_start3A_38, %dma_start3A_39] : memref<10000x64xf32, #tpu.memory_space<vmem_shared>> -> memref<400x64xf32, #tpu.memory_space<vmem_shared>>
        tpu.enqueue_dma source(%dma_start3A_40 : memref<400x64xf32, #tpu.memory_space<vmem_shared>>) target(%dma_start3A_37 : memref<400x64xf32, #tpu.memory_space<hbm>>) target_semaphore(%run_scoped3A_34 : memref<!tpu.dma_semaphore, #tpu.memory_space<semaphore_mem>>)
        %dma_wait3A = arith.constant 9600 : i32
        %dma_wait3A_41 = arith.constant 0 : i32
        %dma_wait3A_42 = tpu.memref_slice %arg4[%arg0, %dma_wait3A, %dma_wait3A_41] : memref<2x10000x64xf32, #tpu.memory_space<hbm>> -> memref<1x400x64xf32, #tpu.memory_space<hbm>>
        %dma_wait3A_43 = tpu.memref_squeeze %dma_wait3A_42 : memref<1x400x64xf32, #tpu.memory_space<hbm>> -> memref<400x64xf32, #tpu.memory_space<hbm>>
        %dma_wait3A_44 = arith.constant 9600 : i32
        %dma_wait3A_45 = arith.constant 0 : i32
        %dma_wait3A_46 = tpu.memref_slice %arg8[%dma_wait3A_44, %dma_wait3A_45] : memref<10000x64xf32, #tpu.memory_space<vmem_shared>> -> memref<400x64xf32, #tpu.memory_space<vmem_shared>>
        tpu.wait_dma2 semaphore(%run_scoped3A_34 : memref<!tpu.dma_semaphore, #tpu.memory_space<semaphore_mem>>) src(%dma_wait3A_46 : memref<400x64xf32, #tpu.memory_space<vmem_shared>>) dst(%dma_wait3A_43 : memref<400x64xf32, #tpu.memory_space<hbm>>)
        tpu.yield
      }) : () -> ()
    } else {
    }
    return
  }
}

#map = affine_map<(d0, d1) -> (0, 0, 0, 0)>
#map1 = affine_map<(d0, d1) -> (0, 0, 0)>
module attributes {stable_mosaic.version = 14 : i64} {
  func.func @_sc_degree(%arg0: i32, %arg1: i32, %arg2: memref<2x32x200x50xi32, #tpu.memory_space<hbm>>, %arg3: memref<2x1x10240xf32, #tpu.memory_space<hbm>>, %arg4: memref<200x50xi32, #tpu.memory_space<vmem>>, %arg5: memref<128xf32, #tpu.memory_space<vmem>>, %arg6: memref<640xf32, #tpu.memory_space<vmem>>, %arg7: memref<10240xf32, #tpu.memory_space<vmem_shared>>, %arg8: memref<!tpu.dma_semaphore, #tpu.memory_space<semaphore_mem>>) attributes {dimension_semantics = [#tpu.dimension_semantics<core_parallel>, #tpu.dimension_semantics<subcore_parallel>], iteration_bounds = array<i64: 2, 16>, scalar_prefetch = 0 : i64, scratch_operands = 5 : i64, tpu.core_type = #tpu.core_type<sc_vector_subcore>, window_params = [{transform_indices = #map}, {transform_indices = #map1}]} {
    %mul3A = arith.constant 16 : i32
    %mul3A_0 = arith.muli %arg0, %mul3A : i32
    %add3A = arith.addi %mul3A_0, %arg1 : i32
    %broadcast_in_dim3A = arith.constant 1.000000e+00 : f32
    %broadcast_in_dim3A_1 = vector.broadcast %broadcast_in_dim3A : f32 to vector<16xf32>
    %swap3A = arith.constant 0 : index
    %swap3A_2 = tpu.vector_load %arg5[%swap3A] {strides = array<i32>} : memref<128xf32, #tpu.memory_space<vmem>>, vector<16xf32>,
    %swap3A_3 = vector.shape_cast %swap3A_2 : vector<16xf32> to vector<16xf32>
    %swap3A_4 = vector.shape_cast %broadcast_in_dim3A_1 : vector<16xf32> to vector<16xf32>
    tpu.vector_store %arg5[%swap3A], %swap3A_4 {strides = array<i32>} : memref<128xf32, #tpu.memory_space<vmem>>, vector<16xf32>,
    %broadcast_in_dim3A_5 = arith.constant 1.000000e+00 : f32
    %broadcast_in_dim3A_6 = vector.broadcast %broadcast_in_dim3A_5 : f32 to vector<16xf32>
    %swap3A_7 = arith.constant 16 : index
    %swap3A_8 = tpu.vector_load %arg5[%swap3A_7] {strides = array<i32>} : memref<128xf32, #tpu.memory_space<vmem>>, vector<16xf32>,
    %swap3A_9 = vector.shape_cast %swap3A_8 : vector<16xf32> to vector<16xf32>
    %swap3A_10 = vector.shape_cast %broadcast_in_dim3A_6 : vector<16xf32> to vector<16xf32>
    tpu.vector_store %arg5[%swap3A_7], %swap3A_10 {strides = array<i32>} : memref<128xf32, #tpu.memory_space<vmem>>, vector<16xf32>,
    %broadcast_in_dim3A_11 = arith.constant 1.000000e+00 : f32
    %broadcast_in_dim3A_12 = vector.broadcast %broadcast_in_dim3A_11 : f32 to vector<16xf32>
    %swap3A_13 = arith.constant 32 : index
    %swap3A_14 = tpu.vector_load %arg5[%swap3A_13] {strides = array<i32>} : memref<128xf32, #tpu.memory_space<vmem>>, vector<16xf32>,
    %swap3A_15 = vector.shape_cast %swap3A_14 : vector<16xf32> to vector<16xf32>
    %swap3A_16 = vector.shape_cast %broadcast_in_dim3A_12 : vector<16xf32> to vector<16xf32>
    tpu.vector_store %arg5[%swap3A_13], %swap3A_16 {strides = array<i32>} : memref<128xf32, #tpu.memory_space<vmem>>, vector<16xf32>,
    %broadcast_in_dim3A_17 = arith.constant 1.000000e+00 : f32
    %broadcast_in_dim3A_18 = vector.broadcast %broadcast_in_dim3A_17 : f32 to vector<16xf32>
    %swap3A_19 = arith.constant 48 : index
    %swap3A_20 = tpu.vector_load %arg5[%swap3A_19] {strides = array<i32>} : memref<128xf32, #tpu.memory_space<vmem>>, vector<16xf32>,
    %swap3A_21 = vector.shape_cast %swap3A_20 : vector<16xf32> to vector<16xf32>
    %swap3A_22 = vector.shape_cast %broadcast_in_dim3A_18 : vector<16xf32> to vector<16xf32>
    tpu.vector_store %arg5[%swap3A_19], %swap3A_22 {strides = array<i32>} : memref<128xf32, #tpu.memory_space<vmem>>, vector<16xf32>,
    %broadcast_in_dim3A_23 = arith.constant 1.000000e+00 : f32
    %broadcast_in_dim3A_24 = vector.broadcast %broadcast_in_dim3A_23 : f32 to vector<16xf32>
    %swap3A_25 = arith.constant 64 : index
    %swap3A_26 = tpu.vector_load %arg5[%swap3A_25] {strides = array<i32>} : memref<128xf32, #tpu.memory_space<vmem>>, vector<16xf32>,
    %swap3A_27 = vector.shape_cast %swap3A_26 : vector<16xf32> to vector<16xf32>
    %swap3A_28 = vector.shape_cast %broadcast_in_dim3A_24 : vector<16xf32> to vector<16xf32>
    tpu.vector_store %arg5[%swap3A_25], %swap3A_28 {strides = array<i32>} : memref<128xf32, #tpu.memory_space<vmem>>, vector<16xf32>,
    %broadcast_in_dim3A_29 = arith.constant 1.000000e+00 : f32
    %broadcast_in_dim3A_30 = vector.broadcast %broadcast_in_dim3A_29 : f32 to vector<16xf32>
    %swap3A_31 = arith.constant 80 : index
    %swap3A_32 = tpu.vector_load %arg5[%swap3A_31] {strides = array<i32>} : memref<128xf32, #tpu.memory_space<vmem>>, vector<16xf32>,
    %swap3A_33 = vector.shape_cast %swap3A_32 : vector<16xf32> to vector<16xf32>
    %swap3A_34 = vector.shape_cast %broadcast_in_dim3A_30 : vector<16xf32> to vector<16xf32>
    tpu.vector_store %arg5[%swap3A_31], %swap3A_34 {strides = array<i32>} : memref<128xf32, #tpu.memory_space<vmem>>, vector<16xf32>,
    %broadcast_in_dim3A_35 = arith.constant 1.000000e+00 : f32
    %broadcast_in_dim3A_36 = vector.broadcast %broadcast_in_dim3A_35 : f32 to vector<16xf32>
    %swap3A_37 = arith.constant 96 : index
    %swap3A_38 = tpu.vector_load %arg5[%swap3A_37] {strides = array<i32>} : memref<128xf32, #tpu.memory_space<vmem>>, vector<16xf32>,
    %swap3A_39 = vector.shape_cast %swap3A_38 : vector<16xf32> to vector<16xf32>
    %swap3A_40 = vector.shape_cast %broadcast_in_dim3A_36 : vector<16xf32> to vector<16xf32>
    tpu.vector_store %arg5[%swap3A_37], %swap3A_40 {strides = array<i32>} : memref<128xf32, #tpu.memory_space<vmem>>, vector<16xf32>,
    %broadcast_in_dim3A_41 = arith.constant 1.000000e+00 : f32
    %broadcast_in_dim3A_42 = vector.broadcast %broadcast_in_dim3A_41 : f32 to vector<16xf32>
    %swap3A_43 = arith.constant 112 : index
    %swap3A_44 = tpu.vector_load %arg5[%swap3A_43] {strides = array<i32>} : memref<128xf32, #tpu.memory_space<vmem>>, vector<16xf32>,
    %swap3A_45 = vector.shape_cast %swap3A_44 : vector<16xf32> to vector<16xf32>
    %swap3A_46 = vector.shape_cast %broadcast_in_dim3A_42 : vector<16xf32> to vector<16xf32>
    tpu.vector_store %arg5[%swap3A_43], %swap3A_46 {strides = array<i32>} : memref<128xf32, #tpu.memory_space<vmem>>, vector<16xf32>,
    %broadcast_in_dim3A_47 = arith.constant 0.000000e+00 : f32
    %broadcast_in_dim3A_48 = vector.broadcast %broadcast_in_dim3A_47 : f32 to vector<16xf32>
    %swap3A_49 = arith.constant 0 : index
    %swap3A_50 = tpu.vector_load %arg6[%swap3A_49] {strides = array<i32>} : memref<640xf32, #tpu.memory_space<vmem>>, vector<16xf32>,
    %swap3A_51 = vector.shape_cast %swap3A_50 : vector<16xf32> to vector<16xf32>
    %swap3A_52 = vector.shape_cast %broadcast_in_dim3A_48 : vector<16xf32> to vector<16xf32>
    tpu.vector_store %arg6[%swap3A_49], %swap3A_52 {strides = array<i32>} : memref<640xf32, #tpu.memory_space<vmem>>, vector<16xf32>,
    %broadcast_in_dim3A_53 = arith.constant 0.000000e+00 : f32
    %broadcast_in_dim3A_54 = vector.broadcast %broadcast_in_dim3A_53 : f32 to vector<16xf32>
    %swap3A_55 = arith.constant 16 : index
    %swap3A_56 = tpu.vector_load %arg6[%swap3A_55] {strides = array<i32>} : memref<640xf32, #tpu.memory_space<vmem>>, vector<16xf32>,
    %swap3A_57 = vector.shape_cast %swap3A_56 : vector<16xf32> to vector<16xf32>
    %swap3A_58 = vector.shape_cast %broadcast_in_dim3A_54 : vector<16xf32> to vector<16xf32>
    tpu.vector_store %arg6[%swap3A_55], %swap3A_58 {strides = array<i32>} : memref<640xf32, #tpu.memory_space<vmem>>, vector<16xf32>,
    %broadcast_in_dim3A_59 = arith.constant 0.000000e+00 : f32
    %broadcast_in_dim3A_60 = vector.broadcast %broadcast_in_dim3A_59 : f32 to vector<16xf32>
    %swap3A_61 = arith.constant 32 : index
    %swap3A_62 = tpu.vector_load %arg6[%swap3A_61] {strides = array<i32>} : memref<640xf32, #tpu.memory_space<vmem>>, vector<16xf32>,
    %swap3A_63 = vector.shape_cast %swap3A_62 : vector<16xf32> to vector<16xf32>
    %swap3A_64 = vector.shape_cast %broadcast_in_dim3A_60 : vector<16xf32> to vector<16xf32>
    tpu.vector_store %arg6[%swap3A_61], %swap3A_64 {strides = array<i32>} : memref<640xf32, #tpu.memory_space<vmem>>, vector<16xf32>,
    %broadcast_in_dim3A_65 = arith.constant 0.000000e+00 : f32
    %broadcast_in_dim3A_66 = vector.broadcast %broadcast_in_dim3A_65 : f32 to vector<16xf32>
    %swap3A_67 = arith.constant 48 : index
    %swap3A_68 = tpu.vector_load %arg6[%swap3A_67] {strides = array<i32>} : memref<640xf32, #tpu.memory_space<vmem>>, vector<16xf32>,
    %swap3A_69 = vector.shape_cast %swap3A_68 : vector<16xf32> to vector<16xf32>
    %swap3A_70 = vector.shape_cast %broadcast_in_dim3A_66 : vector<16xf32> to vector<16xf32>
    tpu.vector_store %arg6[%swap3A_67], %swap3A_70 {strides = array<i32>} : memref<640xf32, #tpu.memory_space<vmem>>, vector<16xf32>,
    %broadcast_in_dim3A_71 = arith.constant 0.000000e+00 : f32
    %broadcast_in_dim3A_72 = vector.broadcast %broadcast_in_dim3A_71 : f32 to vector<16xf32>
    %swap3A_73 = arith.constant 64 : index
    %swap3A_74 = tpu.vector_load %arg6[%swap3A_73] {strides = array<i32>} : memref<640xf32, #tpu.memory_space<vmem>>, vector<16xf32>,
    %swap3A_75 = vector.shape_cast %swap3A_74 : vector<16xf32> to vector<16xf32>
    %swap3A_76 = vector.shape_cast %broadcast_in_dim3A_72 : vector<16xf32> to vector<16xf32>
    tpu.vector_store %arg6[%swap3A_73], %swap3A_76 {strides = array<i32>} : memref<640xf32, #tpu.memory_space<vmem>>, vector<16xf32>,
    %broadcast_in_dim3A_77 = arith.constant 0.000000e+00 : f32
    %broadcast_in_dim3A_78 = vector.broadcast %broadcast_in_dim3A_77 : f32 to vector<16xf32>
    %swap3A_79 = arith.constant 80 : index
    %swap3A_80 = tpu.vector_load %arg6[%swap3A_79] {strides = array<i32>} : memref<640xf32, #tpu.memory_space<vmem>>, vector<16xf32>,
    %swap3A_81 = vector.shape_cast %swap3A_80 : vector<16xf32> to vector<16xf32>
    %swap3A_82 = vector.shape_cast %broadcast_in_dim3A_78 : vector<16xf32> to vector<16xf32>
    tpu.vector_store %arg6[%swap3A_79], %swap3A_82 {strides = array<i32>} : memref<640xf32, #tpu.memory_space<vmem>>, vector<16xf32>,
    %broadcast_in_dim3A_83 = arith.constant 0.000000e+00 : f32
    %broadcast_in_dim3A_84 = vector.broadcast %broadcast_in_dim3A_83 : f32 to vector<16xf32>
    %swap3A_85 = arith.constant 96 : index
    %swap3A_86 = tpu.vector_load %arg6[%swap3A_85] {strides = array<i32>} : memref<640xf32, #tpu.memory_space<vmem>>, vector<16xf32>,
    %swap3A_87 = vector.shape_cast %swap3A_86 : vector<16xf32> to vector<16xf32>
    %swap3A_88 = vector.shape_cast %broadcast_in_dim3A_84 : vector<16xf32> to vector<16xf32>
    tpu.vector_store %arg6[%swap3A_85], %swap3A_88 {strides = array<i32>} : memref<640xf32, #tpu.memory_space<vmem>>, vector<16xf32>,
    %broadcast_in_dim3A_89 = arith.constant 0.000000e+00 : f32
    %broadcast_in_dim3A_90 = vector.broadcast %broadcast_in_dim3A_89 : f32 to vector<16xf32>
    %swap3A_91 = arith.constant 112 : index
    %swap3A_92 = tpu.vector_load %arg6[%swap3A_91] {strides = array<i32>} : memref<640xf32, #tpu.memory_space<vmem>>, vector<16xf32>,
    %swap3A_93 = vector.shape_cast %swap3A_92 : vector<16xf32> to vector<16xf32>
    %swap3A_94 = vector.shape_cast %broadcast_in_dim3A_90 : vector<16xf32> to vector<16xf32>
    tpu.vector_store %arg6[%swap3A_91], %swap3A_94 {strides = array<i32>} : memref<640xf32, #tpu.memory_space<vmem>>, vector<16xf32>,
    %broadcast_in_dim3A_95 = arith.constant 0.000000e+00 : f32
    %broadcast_in_dim3A_96 = vector.broadcast %broadcast_in_dim3A_95 : f32 to vector<16xf32>
    %swap3A_97 = arith.constant 128 : index
    %swap3A_98 = tpu.vector_load %arg6[%swap3A_97] {strides = array<i32>} : memref<640xf32, #tpu.memory_space<vmem>>, vector<16xf32>,
    %swap3A_99 = vector.shape_cast %swap3A_98 : vector<16xf32> to vector<16xf32>
    %swap3A_100 = vector.shape_cast %broadcast_in_dim3A_96 : vector<16xf32> to vector<16xf32>
    tpu.vector_store %arg6[%swap3A_97], %swap3A_100 {strides = array<i32>} : memref<640xf32, #tpu.memory_space<vmem>>, vector<16xf32>,
    %broadcast_in_dim3A_101 = arith.constant 0.000000e+00 : f32
    %broadcast_in_dim3A_102 = vector.broadcast %broadcast_in_dim3A_101 : f32 to vector<16xf32>
    %swap3A_103 = arith.constant 144 : index
    %swap3A_104 = tpu.vector_load %arg6[%swap3A_103] {strides = array<i32>} : memref<640xf32, #tpu.memory_space<vmem>>, vector<16xf32>,
    %swap3A_105 = vector.shape_cast %swap3A_104 : vector<16xf32> to vector<16xf32>
    %swap3A_106 = vector.shape_cast %broadcast_in_dim3A_102 : vector<16xf32> to vector<16xf32>
    tpu.vector_store %arg6[%swap3A_103], %swap3A_106 {strides = array<i32>} : memref<640xf32, #tpu.memory_space<vmem>>, vector<16xf32>,
    %broadcast_in_dim3A_107 = arith.constant 0.000000e+00 : f32
    %broadcast_in_dim3A_108 = vector.broadcast %broadcast_in_dim3A_107 : f32 to vector<16xf32>
    %swap3A_109 = arith.constant 160 : index
    %swap3A_110 = tpu.vector_load %arg6[%swap3A_109] {strides = array<i32>} : memref<640xf32, #tpu.memory_space<vmem>>, vector<16xf32>,
    %swap3A_111 = vector.shape_cast %swap3A_110 : vector<16xf32> to vector<16xf32>
    %swap3A_112 = vector.shape_cast %broadcast_in_dim3A_108 : vector<16xf32> to vector<16xf32>
    tpu.vector_store %arg6[%swap3A_109], %swap3A_112 {strides = array<i32>} : memref<640xf32, #tpu.memory_space<vmem>>, vector<16xf32>,
    %broadcast_in_dim3A_113 = arith.constant 0.000000e+00 : f32
    %broadcast_in_dim3A_114 = vector.broadcast %broadcast_in_dim3A_113 : f32 to vector<16xf32>
    %swap3A_115 = arith.constant 176 : index
    %swap3A_116 = tpu.vector_load %arg6[%swap3A_115] {strides = array<i32>} : memref<640xf32, #tpu.memory_space<vmem>>, vector<16xf32>,
    %swap3A_117 = vector.shape_cast %swap3A_116 : vector<16xf32> to vector<16xf32>
    %swap3A_118 = vector.shape_cast %broadcast_in_dim3A_114 : vector<16xf32> to vector<16xf32>
    tpu.vector_store %arg6[%swap3A_115], %swap3A_118 {strides = array<i32>} : memref<640xf32, #tpu.memory_space<vmem>>, vector<16xf32>,
    %broadcast_in_dim3A_119 = arith.constant 0.000000e+00 : f32
    %broadcast_in_dim3A_120 = vector.broadcast %broadcast_in_dim3A_119 : f32 to vector<16xf32>
    %swap3A_121 = arith.constant 192 : index
    %swap3A_122 = tpu.vector_load %arg6[%swap3A_121] {strides = array<i32>} : memref<640xf32, #tpu.memory_space<vmem>>, vector<16xf32>,
    %swap3A_123 = vector.shape_cast %swap3A_122 : vector<16xf32> to vector<16xf32>
    %swap3A_124 = vector.shape_cast %broadcast_in_dim3A_120 : vector<16xf32> to vector<16xf32>
    tpu.vector_store %arg6[%swap3A_121], %swap3A_124 {strides = array<i32>} : memref<640xf32, #tpu.memory_space<vmem>>, vector<16xf32>,
    %broadcast_in_dim3A_125 = arith.constant 0.000000e+00 : f32
    %broadcast_in_dim3A_126 = vector.broadcast %broadcast_in_dim3A_125 : f32 to vector<16xf32>
    %swap3A_127 = arith.constant 208 : index
    %swap3A_128 = tpu.vector_load %arg6[%swap3A_127] {strides = array<i32>} : memref<640xf32, #tpu.memory_space<vmem>>, vector<16xf32>,
    %swap3A_129 = vector.shape_cast %swap3A_128 : vector<16xf32> to vector<16xf32>
    %swap3A_130 = vector.shape_cast %broadcast_in_dim3A_126 : vector<16xf32> to vector<16xf32>
    tpu.vector_store %arg6[%swap3A_127], %swap3A_130 {strides = array<i32>} : memref<640xf32, #tpu.memory_space<vmem>>, vector<16xf32>,
    %broadcast_in_dim3A_131 = arith.constant 0.000000e+00 : f32
    %broadcast_in_dim3A_132 = vector.broadcast %broadcast_in_dim3A_131 : f32 to vector<16xf32>
    %swap3A_133 = arith.constant 224 : index
    %swap3A_134 = tpu.vector_load %arg6[%swap3A_133] {strides = array<i32>} : memref<640xf32, #tpu.memory_space<vmem>>, vector<16xf32>,
    %swap3A_135 = vector.shape_cast %swap3A_134 : vector<16xf32> to vector<16xf32>
    %swap3A_136 = vector.shape_cast %broadcast_in_dim3A_132 : vector<16xf32> to vector<16xf32>
    tpu.vector_store %arg6[%swap3A_133], %swap3A_136 {strides = array<i32>} : memref<640xf32, #tpu.memory_space<vmem>>, vector<16xf32>,
    %broadcast_in_dim3A_137 = arith.constant 0.000000e+00 : f32
    %broadcast_in_dim3A_138 = vector.broadcast %broadcast_in_dim3A_137 : f32 to vector<16xf32>
    %swap3A_139 = arith.constant 240 : index
    %swap3A_140 = tpu.vector_load %arg6[%swap3A_139] {strides = array<i32>} : memref<640xf32, #tpu.memory_space<vmem>>, vector<16xf32>,
    %swap3A_141 = vector.shape_cast %swap3A_140 : vector<16xf32> to vector<16xf32>
    %swap3A_142 = vector.shape_cast %broadcast_in_dim3A_138 : vector<16xf32> to vector<16xf32>
    tpu.vector_store %arg6[%swap3A_139], %swap3A_142 {strides = array<i32>} : memref<640xf32, #tpu.memory_space<vmem>>, vector<16xf32>,
    %broadcast_in_dim3A_143 = arith.constant 0.000000e+00 : f32
    %broadcast_in_dim3A_144 = vector.broadcast %broadcast_in_dim3A_143 : f32 to vector<16xf32>
    %swap3A_145 = arith.constant 256 : index
    %swap3A_146 = tpu.vector_load %arg6[%swap3A_145] {strides = array<i32>} : memref<640xf32, #tpu.memory_space<vmem>>, vector<16xf32>,
    %swap3A_147 = vector.shape_cast %swap3A_146 : vector<16xf32> to vector<16xf32>
    %swap3A_148 = vector.shape_cast %broadcast_in_dim3A_144 : vector<16xf32> to vector<16xf32>
    tpu.vector_store %arg6[%swap3A_145], %swap3A_148 {strides = array<i32>} : memref<640xf32, #tpu.memory_space<vmem>>, vector<16xf32>,
    %broadcast_in_dim3A_149 = arith.constant 0.000000e+00 : f32
    %broadcast_in_dim3A_150 = vector.broadcast %broadcast_in_dim3A_149 : f32 to vector<16xf32>
    %swap3A_151 = arith.constant 272 : index
    %swap3A_152 = tpu.vector_load %arg6[%swap3A_151] {strides = array<i32>} : memref<640xf32, #tpu.memory_space<vmem>>, vector<16xf32>,
    %swap3A_153 = vector.shape_cast %swap3A_152 : vector<16xf32> to vector<16xf32>
    %swap3A_154 = vector.shape_cast %broadcast_in_dim3A_150 : vector<16xf32> to vector<16xf32>
    tpu.vector_store %arg6[%swap3A_151], %swap3A_154 {strides = array<i32>} : memref<640xf32, #tpu.memory_space<vmem>>, vector<16xf32>,
    %broadcast_in_dim3A_155 = arith.constant 0.000000e+00 : f32
    %broadcast_in_dim3A_156 = vector.broadcast %broadcast_in_dim3A_155 : f32 to vector<16xf32>
    %swap3A_157 = arith.constant 288 : index
    %swap3A_158 = tpu.vector_load %arg6[%swap3A_157] {strides = array<i32>} : memref<640xf32, #tpu.memory_space<vmem>>, vector<16xf32>,
    %swap3A_159 = vector.shape_cast %swap3A_158 : vector<16xf32> to vector<16xf32>
    %swap3A_160 = vector.shape_cast %broadcast_in_dim3A_156 : vector<16xf32> to vector<16xf32>
    tpu.vector_store %arg6[%swap3A_157], %swap3A_160 {strides = array<i32>} : memref<640xf32, #tpu.memory_space<vmem>>, vector<16xf32>,
    %broadcast_in_dim3A_161 = arith.constant 0.000000e+00 : f32
    %broadcast_in_dim3A_162 = vector.broadcast %broadcast_in_dim3A_161 : f32 to vector<16xf32>
    %swap3A_163 = arith.constant 304 : index
    %swap3A_164 = tpu.vector_load %arg6[%swap3A_163] {strides = array<i32>} : memref<640xf32, #tpu.memory_space<vmem>>, vector<16xf32>,
    %swap3A_165 = vector.shape_cast %swap3A_164 : vector<16xf32> to vector<16xf32>
    %swap3A_166 = vector.shape_cast %broadcast_in_dim3A_162 : vector<16xf32> to vector<16xf32>
    tpu.vector_store %arg6[%swap3A_163], %swap3A_166 {strides = array<i32>} : memref<640xf32, #tpu.memory_space<vmem>>, vector<16xf32>,
    %broadcast_in_dim3A_167 = arith.constant 0.000000e+00 : f32
    %broadcast_in_dim3A_168 = vector.broadcast %broadcast_in_dim3A_167 : f32 to vector<16xf32>
    %swap3A_169 = arith.constant 320 : index
    %swap3A_170 = tpu.vector_load %arg6[%swap3A_169] {strides = array<i32>} : memref<640xf32, #tpu.memory_space<vmem>>, vector<16xf32>,
    %swap3A_171 = vector.shape_cast %swap3A_170 : vector<16xf32> to vector<16xf32>
    %swap3A_172 = vector.shape_cast %broadcast_in_dim3A_168 : vector<16xf32> to vector<16xf32>
    tpu.vector_store %arg6[%swap3A_169], %swap3A_172 {strides = array<i32>} : memref<640xf32, #tpu.memory_space<vmem>>, vector<16xf32>,
    %broadcast_in_dim3A_173 = arith.constant 0.000000e+00 : f32
    %broadcast_in_dim3A_174 = vector.broadcast %broadcast_in_dim3A_173 : f32 to vector<16xf32>
    %swap3A_175 = arith.constant 336 : index
    %swap3A_176 = tpu.vector_load %arg6[%swap3A_175] {strides = array<i32>} : memref<640xf32, #tpu.memory_space<vmem>>, vector<16xf32>,
    %swap3A_177 = vector.shape_cast %swap3A_176 : vector<16xf32> to vector<16xf32>
    %swap3A_178 = vector.shape_cast %broadcast_in_dim3A_174 : vector<16xf32> to vector<16xf32>
    tpu.vector_store %arg6[%swap3A_175], %swap3A_178 {strides = array<i32>} : memref<640xf32, #tpu.memory_space<vmem>>, vector<16xf32>,
    %broadcast_in_dim3A_179 = arith.constant 0.000000e+00 : f32
    %broadcast_in_dim3A_180 = vector.broadcast %broadcast_in_dim3A_179 : f32 to vector<16xf32>
    %swap3A_181 = arith.constant 352 : index
    %swap3A_182 = tpu.vector_load %arg6[%swap3A_181] {strides = array<i32>} : memref<640xf32, #tpu.memory_space<vmem>>, vector<16xf32>,
    %swap3A_183 = vector.shape_cast %swap3A_182 : vector<16xf32> to vector<16xf32>
    %swap3A_184 = vector.shape_cast %broadcast_in_dim3A_180 : vector<16xf32> to vector<16xf32>
    tpu.vector_store %arg6[%swap3A_181], %swap3A_184 {strides = array<i32>} : memref<640xf32, #tpu.memory_space<vmem>>, vector<16xf32>,
    %broadcast_in_dim3A_185 = arith.constant 0.000000e+00 : f32
    %broadcast_in_dim3A_186 = vector.broadcast %broadcast_in_dim3A_185 : f32 to vector<16xf32>
    %swap3A_187 = arith.constant 368 : index
    %swap3A_188 = tpu.vector_load %arg6[%swap3A_187] {strides = array<i32>} : memref<640xf32, #tpu.memory_space<vmem>>, vector<16xf32>,
    %swap3A_189 = vector.shape_cast %swap3A_188 : vector<16xf32> to vector<16xf32>
    %swap3A_190 = vector.shape_cast %broadcast_in_dim3A_186 : vector<16xf32> to vector<16xf32>
    tpu.vector_store %arg6[%swap3A_187], %swap3A_190 {strides = array<i32>} : memref<640xf32, #tpu.memory_space<vmem>>, vector<16xf32>,
    %broadcast_in_dim3A_191 = arith.constant 0.000000e+00 : f32
    %broadcast_in_dim3A_192 = vector.broadcast %broadcast_in_dim3A_191 : f32 to vector<16xf32>
    %swap3A_193 = arith.constant 384 : index
    %swap3A_194 = tpu.vector_load %arg6[%swap3A_193] {strides = array<i32>} : memref<640xf32, #tpu.memory_space<vmem>>, vector<16xf32>,
    %swap3A_195 = vector.shape_cast %swap3A_194 : vector<16xf32> to vector<16xf32>
    %swap3A_196 = vector.shape_cast %broadcast_in_dim3A_192 : vector<16xf32> to vector<16xf32>
    tpu.vector_store %arg6[%swap3A_193], %swap3A_196 {strides = array<i32>} : memref<640xf32, #tpu.memory_space<vmem>>, vector<16xf32>,
    %broadcast_in_dim3A_197 = arith.constant 0.000000e+00 : f32
    %broadcast_in_dim3A_198 = vector.broadcast %broadcast_in_dim3A_197 : f32 to vector<16xf32>
    %swap3A_199 = arith.constant 400 : index
    %swap3A_200 = tpu.vector_load %arg6[%swap3A_199] {strides = array<i32>} : memref<640xf32, #tpu.memory_space<vmem>>, vector<16xf32>,
    %swap3A_201 = vector.shape_cast %swap3A_200 : vector<16xf32> to vector<16xf32>
    %swap3A_202 = vector.shape_cast %broadcast_in_dim3A_198 : vector<16xf32> to vector<16xf32>
    tpu.vector_store %arg6[%swap3A_199], %swap3A_202 {strides = array<i32>} : memref<640xf32, #tpu.memory_space<vmem>>, vector<16xf32>,
    %broadcast_in_dim3A_203 = arith.constant 0.000000e+00 : f32
    %broadcast_in_dim3A_204 = vector.broadcast %broadcast_in_dim3A_203 : f32 to vector<16xf32>
    %swap3A_205 = arith.constant 416 : index
    %swap3A_206 = tpu.vector_load %arg6[%swap3A_205] {strides = array<i32>} : memref<640xf32, #tpu.memory_space<vmem>>, vector<16xf32>,
    %swap3A_207 = vector.shape_cast %swap3A_206 : vector<16xf32> to vector<16xf32>
    %swap3A_208 = vector.shape_cast %broadcast_in_dim3A_204 : vector<16xf32> to vector<16xf32>
    tpu.vector_store %arg6[%swap3A_205], %swap3A_208 {strides = array<i32>} : memref<640xf32, #tpu.memory_space<vmem>>, vector<16xf32>,
    %broadcast_in_dim3A_209 = arith.constant 0.000000e+00 : f32
    %broadcast_in_dim3A_210 = vector.broadcast %broadcast_in_dim3A_209 : f32 to vector<16xf32>
    %swap3A_211 = arith.constant 432 : index
    %swap3A_212 = tpu.vector_load %arg6[%swap3A_211] {strides = array<i32>} : memref<640xf32, #tpu.memory_space<vmem>>, vector<16xf32>,
    %swap3A_213 = vector.shape_cast %swap3A_212 : vector<16xf32> to vector<16xf32>
    %swap3A_214 = vector.shape_cast %broadcast_in_dim3A_210 : vector<16xf32> to vector<16xf32>
    tpu.vector_store %arg6[%swap3A_211], %swap3A_214 {strides = array<i32>} : memref<640xf32, #tpu.memory_space<vmem>>, vector<16xf32>,
    %broadcast_in_dim3A_215 = arith.constant 0.000000e+00 : f32
    %broadcast_in_dim3A_216 = vector.broadcast %broadcast_in_dim3A_215 : f32 to vector<16xf32>
    %swap3A_217 = arith.constant 448 : index
    %swap3A_218 = tpu.vector_load %arg6[%swap3A_217] {strides = array<i32>} : memref<640xf32, #tpu.memory_space<vmem>>, vector<16xf32>,
    %swap3A_219 = vector.shape_cast %swap3A_218 : vector<16xf32> to vector<16xf32>
    %swap3A_220 = vector.shape_cast %broadcast_in_dim3A_216 : vector<16xf32> to vector<16xf32>
    tpu.vector_store %arg6[%swap3A_217], %swap3A_220 {strides = array<i32>} : memref<640xf32, #tpu.memory_space<vmem>>, vector<16xf32>,
    %broadcast_in_dim3A_221 = arith.constant 0.000000e+00 : f32
    %broadcast_in_dim3A_222 = vector.broadcast %broadcast_in_dim3A_221 : f32 to vector<16xf32>
    %swap3A_223 = arith.constant 464 : index
    %swap3A_224 = tpu.vector_load %arg6[%swap3A_223] {strides = array<i32>} : memref<640xf32, #tpu.memory_space<vmem>>, vector<16xf32>,
    %swap3A_225 = vector.shape_cast %swap3A_224 : vector<16xf32> to vector<16xf32>
    %swap3A_226 = vector.shape_cast %broadcast_in_dim3A_222 : vector<16xf32> to vector<16xf32>
    tpu.vector_store %arg6[%swap3A_223], %swap3A_226 {strides = array<i32>} : memref<640xf32, #tpu.memory_space<vmem>>, vector<16xf32>,
    %broadcast_in_dim3A_227 = arith.constant 0.000000e+00 : f32
    %broadcast_in_dim3A_228 = vector.broadcast %broadcast_in_dim3A_227 : f32 to vector<16xf32>
    %swap3A_229 = arith.constant 480 : index
    %swap3A_230 = tpu.vector_load %arg6[%swap3A_229] {strides = array<i32>} : memref<640xf32, #tpu.memory_space<vmem>>, vector<16xf32>,
    %swap3A_231 = vector.shape_cast %swap3A_230 : vector<16xf32> to vector<16xf32>
    %swap3A_232 = vector.shape_cast %broadcast_in_dim3A_228 : vector<16xf32> to vector<16xf32>
    tpu.vector_store %arg6[%swap3A_229], %swap3A_232 {strides = array<i32>} : memref<640xf32, #tpu.memory_space<vmem>>, vector<16xf32>,
    %broadcast_in_dim3A_233 = arith.constant 0.000000e+00 : f32
    %broadcast_in_dim3A_234 = vector.broadcast %broadcast_in_dim3A_233 : f32 to vector<16xf32>
    %swap3A_235 = arith.constant 496 : index
    %swap3A_236 = tpu.vector_load %arg6[%swap3A_235] {strides = array<i32>} : memref<640xf32, #tpu.memory_space<vmem>>, vector<16xf32>,
    %swap3A_237 = vector.shape_cast %swap3A_236 : vector<16xf32> to vector<16xf32>
    %swap3A_238 = vector.shape_cast %broadcast_in_dim3A_234 : vector<16xf32> to vector<16xf32>
    tpu.vector_store %arg6[%swap3A_235], %swap3A_238 {strides = array<i32>} : memref<640xf32, #tpu.memory_space<vmem>>, vector<16xf32>,
    %broadcast_in_dim3A_239 = arith.constant 0.000000e+00 : f32
    %broadcast_in_dim3A_240 = vector.broadcast %broadcast_in_dim3A_239 : f32 to vector<16xf32>
    %swap3A_241 = arith.constant 512 : index
    %swap3A_242 = tpu.vector_load %arg6[%swap3A_241] {strides = array<i32>} : memref<640xf32, #tpu.memory_space<vmem>>, vector<16xf32>,
    %swap3A_243 = vector.shape_cast %swap3A_242 : vector<16xf32> to vector<16xf32>
    %swap3A_244 = vector.shape_cast %broadcast_in_dim3A_240 : vector<16xf32> to vector<16xf32>
    tpu.vector_store %arg6[%swap3A_241], %swap3A_244 {strides = array<i32>} : memref<640xf32, #tpu.memory_space<vmem>>, vector<16xf32>,
    %broadcast_in_dim3A_245 = arith.constant 0.000000e+00 : f32
    %broadcast_in_dim3A_246 = vector.broadcast %broadcast_in_dim3A_245 : f32 to vector<16xf32>
    %swap3A_247 = arith.constant 528 : index
    %swap3A_248 = tpu.vector_load %arg6[%swap3A_247] {strides = array<i32>} : memref<640xf32, #tpu.memory_space<vmem>>, vector<16xf32>,
    %swap3A_249 = vector.shape_cast %swap3A_248 : vector<16xf32> to vector<16xf32>
    %swap3A_250 = vector.shape_cast %broadcast_in_dim3A_246 : vector<16xf32> to vector<16xf32>
    tpu.vector_store %arg6[%swap3A_247], %swap3A_250 {strides = array<i32>} : memref<640xf32, #tpu.memory_space<vmem>>, vector<16xf32>,
    %broadcast_in_dim3A_251 = arith.constant 0.000000e+00 : f32
    %broadcast_in_dim3A_252 = vector.broadcast %broadcast_in_dim3A_251 : f32 to vector<16xf32>
    %swap3A_253 = arith.constant 544 : index
    %swap3A_254 = tpu.vector_load %arg6[%swap3A_253] {strides = array<i32>} : memref<640xf32, #tpu.memory_space<vmem>>, vector<16xf32>,
    %swap3A_255 = vector.shape_cast %swap3A_254 : vector<16xf32> to vector<16xf32>
    %swap3A_256 = vector.shape_cast %broadcast_in_dim3A_252 : vector<16xf32> to vector<16xf32>
    tpu.vector_store %arg6[%swap3A_253], %swap3A_256 {strides = array<i32>} : memref<640xf32, #tpu.memory_space<vmem>>, vector<16xf32>,
    %broadcast_in_dim3A_257 = arith.constant 0.000000e+00 : f32
    %broadcast_in_dim3A_258 = vector.broadcast %broadcast_in_dim3A_257 : f32 to vector<16xf32>
    %swap3A_259 = arith.constant 560 : index
    %swap3A_260 = tpu.vector_load %arg6[%swap3A_259] {strides = array<i32>} : memref<640xf32, #tpu.memory_space<vmem>>, vector<16xf32>,
    %swap3A_261 = vector.shape_cast %swap3A_260 : vector<16xf32> to vector<16xf32>
    %swap3A_262 = vector.shape_cast %broadcast_in_dim3A_258 : vector<16xf32> to vector<16xf32>
    tpu.vector_store %arg6[%swap3A_259], %swap3A_262 {strides = array<i32>} : memref<640xf32, #tpu.memory_space<vmem>>, vector<16xf32>,
    %broadcast_in_dim3A_263 = arith.constant 0.000000e+00 : f32
    %broadcast_in_dim3A_264 = vector.broadcast %broadcast_in_dim3A_263 : f32 to vector<16xf32>
    %swap3A_265 = arith.constant 576 : index
    %swap3A_266 = tpu.vector_load %arg6[%swap3A_265] {strides = array<i32>} : memref<640xf32, #tpu.memory_space<vmem>>, vector<16xf32>,
    %swap3A_267 = vector.shape_cast %swap3A_266 : vector<16xf32> to vector<16xf32>
    %swap3A_268 = vector.shape_cast %broadcast_in_dim3A_264 : vector<16xf32> to vector<16xf32>
    tpu.vector_store %arg6[%swap3A_265], %swap3A_268 {strides = array<i32>} : memref<640xf32, #tpu.memory_space<vmem>>, vector<16xf32>,
    %broadcast_in_dim3A_269 = arith.constant 0.000000e+00 : f32
    %broadcast_in_dim3A_270 = vector.broadcast %broadcast_in_dim3A_269 : f32 to vector<16xf32>
    %swap3A_271 = arith.constant 592 : index
    %swap3A_272 = tpu.vector_load %arg6[%swap3A_271] {strides = array<i32>} : memref<640xf32, #tpu.memory_space<vmem>>, vector<16xf32>,
    %swap3A_273 = vector.shape_cast %swap3A_272 : vector<16xf32> to vector<16xf32>
    %swap3A_274 = vector.shape_cast %broadcast_in_dim3A_270 : vector<16xf32> to vector<16xf32>
    tpu.vector_store %arg6[%swap3A_271], %swap3A_274 {strides = array<i32>} : memref<640xf32, #tpu.memory_space<vmem>>, vector<16xf32>,
    %broadcast_in_dim3A_275 = arith.constant 0.000000e+00 : f32
    %broadcast_in_dim3A_276 = vector.broadcast %broadcast_in_dim3A_275 : f32 to vector<16xf32>
    %swap3A_277 = arith.constant 608 : index
    %swap3A_278 = tpu.vector_load %arg6[%swap3A_277] {strides = array<i32>} : memref<640xf32, #tpu.memory_space<vmem>>, vector<16xf32>,
    %swap3A_279 = vector.shape_cast %swap3A_278 : vector<16xf32> to vector<16xf32>
    %swap3A_280 = vector.shape_cast %broadcast_in_dim3A_276 : vector<16xf32> to vector<16xf32>
    tpu.vector_store %arg6[%swap3A_277], %swap3A_280 {strides = array<i32>} : memref<640xf32, #tpu.memory_space<vmem>>, vector<16xf32>,
    %broadcast_in_dim3A_281 = arith.constant 0.000000e+00 : f32
    %broadcast_in_dim3A_282 = vector.broadcast %broadcast_in_dim3A_281 : f32 to vector<16xf32>
    %swap3A_283 = arith.constant 624 : index
    %swap3A_284 = tpu.vector_load %arg6[%swap3A_283] {strides = array<i32>} : memref<640xf32, #tpu.memory_space<vmem>>, vector<16xf32>,
    %swap3A_285 = vector.shape_cast %swap3A_284 : vector<16xf32> to vector<16xf32>
    %swap3A_286 = vector.shape_cast %broadcast_in_dim3A_282 : vector<16xf32> to vector<16xf32>
    tpu.vector_store %arg6[%swap3A_283], %swap3A_286 {strides = array<i32>} : memref<640xf32, #tpu.memory_space<vmem>>, vector<16xf32>,
    %mul3A_287 = arith.constant 640 : i32
    %mul3A_288 = arith.muli %mul3A_287, %arg1 : i32
    "tpu.region"() ({
      %run_scoped3A_306 = tpu.sem_alloc : memref<!tpu.dma_semaphore, #tpu.memory_space<semaphore_mem>>
      %dma_start3A = tpu.memref_slice %arg7[%mul3A_288] : memref<10240xf32, #tpu.memory_space<vmem_shared>> -> memref<640xf32, #tpu.memory_space<vmem_shared>>
      %dma_start3A_307 = tpu.memref_slice %arg7[%mul3A_288] : memref<10240xf32, #tpu.memory_space<vmem_shared>> -> memref<640xf32, #tpu.memory_space<vmem_shared>>
      tpu.enqueue_dma source(%arg6 : memref<640xf32, #tpu.memory_space<vmem>>) target(%dma_start3A_307 : memref<640xf32, #tpu.memory_space<vmem_shared>>) target_semaphore(%run_scoped3A_306 : memref<!tpu.dma_semaphore, #tpu.memory_space<semaphore_mem>>)
      %dma_wait3A = tpu.memref_slice %arg7[%mul3A_288] : memref<10240xf32, #tpu.memory_space<vmem_shared>> -> memref<640xf32, #tpu.memory_space<vmem_shared>>
      %dma_wait3A_308 = tpu.memref_slice %arg7[%mul3A_288] : memref<10240xf32, #tpu.memory_space<vmem_shared>> -> memref<640xf32, #tpu.memory_space<vmem_shared>>
      tpu.wait_dma2 semaphore(%run_scoped3A_306 : memref<!tpu.dma_semaphore, #tpu.memory_space<semaphore_mem>>) src(%arg6 : memref<640xf32, #tpu.memory_space<vmem>>) dst(%dma_wait3A_308 : memref<640xf32, #tpu.memory_space<vmem_shared>>)
      tpu.yield
    }) : () -> ()
    %barrier3A = arith.constant 0 : index
    tpu.barrier barrier_id(%barrier3A)
    %run_scoped3A = arith.constant 1 : i32
    "tpu.region"() ({
      %run_scoped3A_306 = tpu.sem_alloc : memref<!tpu.dma_semaphore, #tpu.memory_space<semaphore_mem>>
      %dma_start3A = arith.constant 0 : i32
      %dma_start3A_307 = arith.constant 0 : i32
      %dma_start3A_308 = tpu.memref_slice %arg2[%run_scoped3A, %add3A, %dma_start3A, %dma_start3A_307] : memref<2x32x200x50xi32, #tpu.memory_space<hbm>> -> memref<1x1x200x50xi32, #tpu.memory_space<hbm>>
      %dma_start3A_309 = tpu.memref_squeeze %dma_start3A_308 : memref<1x1x200x50xi32, #tpu.memory_space<hbm>> -> memref<200x50xi32, #tpu.memory_space<hbm>>
      %dma_start3A_310 = arith.constant 0 : i32
      %dma_start3A_311 = arith.constant 0 : i32
      %dma_start3A_312 = tpu.memref_slice %arg2[%run_scoped3A, %add3A, %dma_start3A_310, %dma_start3A_311] : memref<2x32x200x50xi32, #tpu.memory_space<hbm>> -> memref<1x1x200x50xi32, #tpu.memory_space<hbm>>
      %dma_start3A_313 = tpu.memref_squeeze %dma_start3A_312 : memref<1x1x200x50xi32, #tpu.memory_space<hbm>> -> memref<200x50xi32, #tpu.memory_space<hbm>>
      tpu.enqueue_dma source(%dma_start3A_313 : memref<200x50xi32, #tpu.memory_space<hbm>>) target(%arg4 : memref<200x50xi32, #tpu.memory_space<vmem>>) target_semaphore(%run_scoped3A_306 : memref<!tpu.dma_semaphore, #tpu.memory_space<semaphore_mem>>)
      %dma_wait3A = arith.constant 0 : i32
      %dma_wait3A_314 = arith.constant 0 : i32
      %dma_wait3A_315 = tpu.memref_slice %arg2[%run_scoped3A, %add3A, %dma_wait3A, %dma_wait3A_314] : memref<2x32x200x50xi32, #tpu.memory_space<hbm>> -> memref<1x1x200x50xi32, #tpu.memory_space<hbm>>
      %dma_wait3A_316 = tpu.memref_squeeze %dma_wait3A_315 : memref<1x1x200x50xi32, #tpu.memory_space<hbm>> -> memref<200x50xi32, #tpu.memory_space<hbm>>
      %dma_wait3A_317 = arith.constant 0 : i32
      %dma_wait3A_318 = arith.constant 0 : i32
      %dma_wait3A_319 = tpu.memref_slice %arg2[%run_scoped3A, %add3A, %dma_wait3A_317, %dma_wait3A_318] : memref<2x32x200x50xi32, #tpu.memory_space<hbm>> -> memref<1x1x200x50xi32, #tpu.memory_space<hbm>>
      %dma_wait3A_320 = tpu.memref_squeeze %dma_wait3A_319 : memref<1x1x200x50xi32, #tpu.memory_space<hbm>> -> memref<200x50xi32, #tpu.memory_space<hbm>>
      tpu.wait_dma2 semaphore(%run_scoped3A_306 : memref<!tpu.dma_semaphore, #tpu.memory_space<semaphore_mem>>) src(%dma_wait3A_320 : memref<200x50xi32, #tpu.memory_space<hbm>>) dst(%arg4 : memref<200x50xi32, #tpu.memory_space<vmem>>)
      tpu.yield
    }) : () -> ()
    %scan3A = arith.constant 0 : i32
    %scan3A_289 = arith.constant 0 : i32
    %scan3A_290 = arith.constant 200 : i32
    %scan3A_291 = arith.addi %scan3A_289, %scan3A_290 : i32
    %scan3A_292 = arith.constant 1 : i32
    scf.for %scan3A_306 = %scan3A_289 to %scan3A_291 step %scan3A_292  : i32 {
      %dma_start3A = arith.constant 0 : i32
      %dma_start3A_307 = tpu.memref_slice %arg5[%dma_start3A] : memref<128xf32, #tpu.memory_space<vmem>> -> memref<50xf32, #tpu.memory_space<vmem>>
      %dma_start3A_308 = arith.constant 0 : i32
      %dma_start3A_309 = tpu.memref_slice %arg4[%scan3A_306, %dma_start3A_308] : memref<200x50xi32, #tpu.memory_space<vmem>> -> memref<1x50xi32, #tpu.memory_space<vmem>>
      %dma_start3A_310 = tpu.memref_squeeze %dma_start3A_309 : memref<1x50xi32, #tpu.memory_space<vmem>> -> memref<50xi32, #tpu.memory_space<vmem>>
      %dma_start3A_311 = arith.constant 0 : i32
      %dma_start3A_312 = tpu.memref_slice %arg7[%dma_start3A_311] : memref<10240xf32, #tpu.memory_space<vmem_shared>> -> memref<10240xf32, #tpu.memory_space<vmem_shared>>
      tpu.enqueue_indirect_dma source(%dma_start3A_307 : memref<50xf32, #tpu.memory_space<vmem>>) target(%dma_start3A_312 : memref<10240xf32, #tpu.memory_space<vmem_shared>>) offsets(%dma_start3A_310 : memref<50xi32, #tpu.memory_space<vmem>>) semaphore(%arg8 : memref<!tpu.dma_semaphore, #tpu.memory_space<semaphore_mem>>) {add = true}
    }
    %scan3A_293 = arith.constant 200 : i32
    %scan3A_294 = arith.constant 0 : i32
    %scan3A_295 = arith.constant 0 : i32
    %scan3A_296 = arith.constant 200 : i32
    %scan3A_297 = arith.addi %scan3A_295, %scan3A_296 : i32
    %scan3A_298 = arith.constant 1 : i32
    scf.for %scan3A_306 = %scan3A_295 to %scan3A_297 step %scan3A_298  : i32 {
      %dma_wait3A = arith.constant 0 : i32
      %dma_wait3A_307 = arith.constant 0 : i32
      %dma_wait3A_308 = tpu.memref_slice %arg5[%dma_wait3A_307] : memref<128xf32, #tpu.memory_space<vmem>> -> memref<50xf32, #tpu.memory_space<vmem>>
      %dma_wait3A_309 = arith.constant 0 : i32
      %dma_wait3A_310 = tpu.memref_slice %arg4[%dma_wait3A, %dma_wait3A_309] : memref<200x50xi32, #tpu.memory_space<vmem>> -> memref<1x50xi32, #tpu.memory_space<vmem>>
      %dma_wait3A_311 = tpu.memref_squeeze %dma_wait3A_310 : memref<1x50xi32, #tpu.memory_space<vmem>> -> memref<50xi32, #tpu.memory_space<vmem>>
      %dma_wait3A_312 = arith.constant 0 : i32
      %dma_wait3A_313 = tpu.memref_slice %arg7[%dma_wait3A_312] : memref<10240xf32, #tpu.memory_space<vmem_shared>> -> memref<10240xf32, #tpu.memory_space<vmem_shared>>
      tpu.wait_indirect_dma semaphore(%arg8 : memref<!tpu.dma_semaphore, #tpu.memory_space<semaphore_mem>>) src(%dma_wait3A_308 : memref<50xf32, #tpu.memory_space<vmem>>) dst(%dma_wait3A_313 : memref<10240xf32, #tpu.memory_space<vmem_shared>>)
    }
    %scan3A_299 = arith.constant 200 : i32
    %barrier3A_300 = arith.constant 0 : index
    tpu.barrier barrier_id(%barrier3A_300)
    %mul3A_301 = arith.constant 640 : i32
    %mul3A_302 = arith.muli %mul3A_301, %arg1 : i32
    %mul3A_303 = arith.constant 640 : i32
    %mul3A_304 = arith.muli %mul3A_303, %arg1 : i32
    %run_scoped3A_305 = arith.constant 0 : i32
    "tpu.region"() ({
      %run_scoped3A_306 = tpu.sem_alloc : memref<!tpu.dma_semaphore, #tpu.memory_space<semaphore_mem>>
      %dma_start3A = tpu.memref_slice %arg3[%arg0, %run_scoped3A_305, %mul3A_304] : memref<2x1x10240xf32, #tpu.memory_space<hbm>> -> memref<1x1x640xf32, #tpu.memory_space<hbm>>
      %dma_start3A_307 = tpu.memref_squeeze %dma_start3A : memref<1x1x640xf32, #tpu.memory_space<hbm>> -> memref<640xf32, #tpu.memory_space<hbm>>
      %dma_start3A_308 = tpu.memref_slice %arg7[%mul3A_302] : memref<10240xf32, #tpu.memory_space<vmem_shared>> -> memref<640xf32, #tpu.memory_space<vmem_shared>>
      tpu.enqueue_dma source(%dma_start3A_308 : memref<640xf32, #tpu.memory_space<vmem_shared>>) target(%dma_start3A_307 : memref<640xf32, #tpu.memory_space<hbm>>) target_semaphore(%run_scoped3A_306 : memref<!tpu.dma_semaphore, #tpu.memory_space<semaphore_mem>>)
      %dma_wait3A = tpu.memref_slice %arg3[%arg0, %run_scoped3A_305, %mul3A_304] : memref<2x1x10240xf32, #tpu.memory_space<hbm>> -> memref<1x1x640xf32, #tpu.memory_space<hbm>>
      %dma_wait3A_309 = tpu.memref_squeeze %dma_wait3A : memref<1x1x640xf32, #tpu.memory_space<hbm>> -> memref<640xf32, #tpu.memory_space<hbm>>
      %dma_wait3A_310 = tpu.memref_slice %arg7[%mul3A_302] : memref<10240xf32, #tpu.memory_space<vmem_shared>> -> memref<640xf32, #tpu.memory_space<vmem_shared>>
      tpu.wait_dma2 semaphore(%run_scoped3A_306 : memref<!tpu.dma_semaphore, #tpu.memory_space<semaphore_mem>>) src(%dma_wait3A_310 : memref<640xf32, #tpu.memory_space<vmem_shared>>) dst(%dma_wait3A_309 : memref<640xf32, #tpu.memory_space<hbm>>)
      tpu.yield
    }) : () -> ()
    return
  }
}

#map = affine_map<(d0, d1) -> (0, 0)>
#map1 = affine_map<(d0, d1) -> (0, 0, 0, 0)>
#map2 = affine_map<(d0, d1) -> (0, 0, 0)>
module attributes {stable_mosaic.version = 14 : i64} {
  func.func @_sc_agg(%arg0: i32, %arg1: i32, %arg2: memref<10000x64xf32, #tpu.memory_space<hbm>>, %arg3: memref<2x32x200x50xi32, #tpu.memory_space<hbm>>, %arg4: memref<2x10000x64xf32, #tpu.memory_space<hbm>>, %arg5: memref<40x50xi32, #tpu.memory_space<vmem>>, %arg6: memref<40x50xi32, #tpu.memory_space<vmem>>, %arg7: memref<5x50x64xf32, #tpu.memory_space<vmem>>, %arg8: memref<10000x64xf32, #tpu.memory_space<vmem_shared>>, %arg9: memref<!tpu.dma_semaphore, #tpu.memory_space<semaphore_mem>>, %arg10: memref<!tpu.dma_semaphore, #tpu.memory_space<semaphore_mem>>) attributes {dimension_semantics = [#tpu.dimension_semantics<core_parallel>, #tpu.dimension_semantics<subcore_parallel>], iteration_bounds = array<i64: 2, 16>, scalar_prefetch = 0 : i64, scratch_operands = 6 : i64, tpu.core_type = #tpu.core_type<sc_vector_subcore>, window_params = [{transform_indices = #map}, {transform_indices = #map1}, {transform_indices = #map2}]} {
    %mul3A = arith.constant 16 : i32
    %mul3A_0 = arith.muli %arg0, %mul3A : i32
    %add3A = arith.addi %mul3A_0, %arg1 : i32
    %lt3A = arith.constant 15 : i32
    %lt3A_1 = arith.cmpi slt, %arg1, %lt3A : i32
    %convert_element_type3A = arith.extui %lt3A_1 : i1 to i32
    %cond3A = arith.constant 0 : i32
    %cond3A_2 = arith.cmpi ne, %convert_element_type3A, %cond3A : i32
    scf.if %cond3A_2 {
      %mul3A_34 = arith.constant 640 : i32
      %mul3A_35 = arith.muli %mul3A_34, %arg1 : i32
      %mul3A_36 = arith.constant 640 : i32
      %mul3A_37 = arith.muli %mul3A_36, %arg1 : i32
      %dma_start3A = arith.constant 0 : i32
      %dma_start3A_38 = tpu.memref_slice %arg8[%mul3A_37, %dma_start3A] : memref<10000x64xf32, #tpu.memory_space<vmem_shared>> -> memref<640x64xf32, #tpu.memory_space<vmem_shared>>
      %dma_start3A_39 = arith.constant 0 : i32
      %dma_start3A_40 = tpu.memref_slice %arg2[%mul3A_35, %dma_start3A_39] : memref<10000x64xf32, #tpu.memory_space<hbm>> -> memref<640x64xf32, #tpu.memory_space<hbm>>
      tpu.enqueue_dma source(%dma_start3A_40 : memref<640x64xf32, #tpu.memory_space<hbm>>) target(%dma_start3A_38 : memref<640x64xf32, #tpu.memory_space<vmem_shared>>) target_semaphore(%arg9 : memref<!tpu.dma_semaphore, #tpu.memory_space<semaphore_mem>>)
    } else {
    }
    %eq3A = arith.constant 15 : i32
    %eq3A_3 = arith.cmpi eq, %arg1, %eq3A : i32
    %convert_element_type3A_4 = arith.extui %eq3A_3 : i1 to i32
    %cond3A_5 = arith.constant 0 : i32
    %cond3A_6 = arith.cmpi ne, %convert_element_type3A_4, %cond3A_5 : i32
    scf.if %cond3A_6 {
      %dma_start3A = arith.constant 9600 : i32
      %dma_start3A_34 = arith.constant 0 : i32
      %dma_start3A_35 = tpu.memref_slice %arg8[%dma_start3A, %dma_start3A_34] : memref<10000x64xf32, #tpu.memory_space<vmem_shared>> -> memref<400x64xf32, #tpu.memory_space<vmem_shared>>
      %dma_start3A_36 = arith.constant 9600 : i32
      %dma_start3A_37 = arith.constant 0 : i32
      %dma_start3A_38 = tpu.memref_slice %arg2[%dma_start3A_36, %dma_start3A_37] : memref<10000x64xf32, #tpu.memory_space<hbm>> -> memref<400x64xf32, #tpu.memory_space<hbm>>
      tpu.enqueue_dma source(%dma_start3A_38 : memref<400x64xf32, #tpu.memory_space<hbm>>) target(%dma_start3A_35 : memref<400x64xf32, #tpu.memory_space<vmem_shared>>) target_semaphore(%arg9 : memref<!tpu.dma_semaphore, #tpu.memory_space<semaphore_mem>>)
    } else {
    }
    %run_scoped3A = arith.constant 0 : i32
    "tpu.region"() ({
      %run_scoped3A_34 = tpu.sem_alloc : memref<!tpu.dma_semaphore, #tpu.memory_space<semaphore_mem>>
      %dma_start3A = arith.constant 0 : i32
      %dma_start3A_35 = arith.constant 0 : i32
      %dma_start3A_36 = tpu.memref_slice %arg3[%run_scoped3A, %add3A, %dma_start3A, %dma_start3A_35] : memref<2x32x200x50xi32, #tpu.memory_space<hbm>> -> memref<1x1x40x50xi32, #tpu.memory_space<hbm>>
      %dma_start3A_37 = tpu.memref_squeeze %dma_start3A_36 : memref<1x1x40x50xi32, #tpu.memory_space<hbm>> -> memref<40x50xi32, #tpu.memory_space<hbm>>
      %dma_start3A_38 = arith.constant 0 : i32
      %dma_start3A_39 = arith.constant 0 : i32
      %dma_start3A_40 = tpu.memref_slice %arg3[%run_scoped3A, %add3A, %dma_start3A_38, %dma_start3A_39] : memref<2x32x200x50xi32, #tpu.memory_space<hbm>> -> memref<1x1x40x50xi32, #tpu.memory_space<hbm>>
      %dma_start3A_41 = tpu.memref_squeeze %dma_start3A_40 : memref<1x1x40x50xi32, #tpu.memory_space<hbm>> -> memref<40x50xi32, #tpu.memory_space<hbm>>
      tpu.enqueue_dma source(%dma_start3A_41 : memref<40x50xi32, #tpu.memory_space<hbm>>) target(%arg5 : memref<40x50xi32, #tpu.memory_space<vmem>>) target_semaphore(%run_scoped3A_34 : memref<!tpu.dma_semaphore, #tpu.memory_space<semaphore_mem>>)
      %dma_wait3A = arith.constant 0 : i32
      %dma_wait3A_42 = arith.constant 0 : i32
      %dma_wait3A_43 = tpu.memref_slice %arg3[%run_scoped3A, %add3A, %dma_wait3A, %dma_wait3A_42] : memref<2x32x200x50xi32, #tpu.memory_space<hbm>> -> memref<1x1x40x50xi32, #tpu.memory_space<hbm>>
      %dma_wait3A_44 = tpu.memref_squeeze %dma_wait3A_43 : memref<1x1x40x50xi32, #tpu.memory_space<hbm>> -> memref<40x50xi32, #tpu.memory_space<hbm>>
      %dma_wait3A_45 = arith.constant 0 : i32
      %dma_wait3A_46 = arith.constant 0 : i32
      %dma_wait3A_47 = tpu.memref_slice %arg3[%run_scoped3A, %add3A, %dma_wait3A_45, %dma_wait3A_46] : memref<2x32x200x50xi32, #tpu.memory_space<hbm>> -> memref<1x1x40x50xi32, #tpu.memory_space<hbm>>
      %dma_wait3A_48 = tpu.memref_squeeze %dma_wait3A_47 : memref<1x1x40x50xi32, #tpu.memory_space<hbm>> -> memref<40x50xi32, #tpu.memory_space<hbm>>
      tpu.wait_dma2 semaphore(%run_scoped3A_34 : memref<!tpu.dma_semaphore, #tpu.memory_space<semaphore_mem>>) src(%dma_wait3A_48 : memref<40x50xi32, #tpu.memory_space<hbm>>) dst(%arg5 : memref<40x50xi32, #tpu.memory_space<vmem>>)
      tpu.yield
    }) : () -> ()
    %run_scoped3A_7 = arith.constant 1 : i32
    "tpu.region"() ({
      %run_scoped3A_34 = tpu.sem_alloc : memref<!tpu.dma_semaphore, #tpu.memory_space<semaphore_mem>>
      %dma_start3A = arith.constant 0 : i32
      %dma_start3A_35 = arith.constant 0 : i32
      %dma_start3A_36 = tpu.memref_slice %arg3[%run_scoped3A_7, %add3A, %dma_start3A, %dma_start3A_35] : memref<2x32x200x50xi32, #tpu.memory_space<hbm>> -> memref<1x1x40x50xi32, #tpu.memory_space<hbm>>
      %dma_start3A_37 = tpu.memref_squeeze %dma_start3A_36 : memref<1x1x40x50xi32, #tpu.memory_space<hbm>> -> memref<40x50xi32, #tpu.memory_space<hbm>>
      %dma_start3A_38 = arith.constant 0 : i32
      %dma_start3A_39 = arith.constant 0 : i32
      %dma_start3A_40 = tpu.memref_slice %arg3[%run_scoped3A_7, %add3A, %dma_start3A_38, %dma_start3A_39] : memref<2x32x200x50xi32, #tpu.memory_space<hbm>> -> memref<1x1x40x50xi32, #tpu.memory_space<hbm>>
      %dma_start3A_41 = tpu.memref_squeeze %dma_start3A_40 : memref<1x1x40x50xi32, #tpu.memory_space<hbm>> -> memref<40x50xi32, #tpu.memory_space<hbm>>
      tpu.enqueue_dma source(%dma_start3A_41 : memref<40x50xi32, #tpu.memory_space<hbm>>) target(%arg6 : memref<40x50xi32, #tpu.memory_space<vmem>>) target_semaphore(%run_scoped3A_34 : memref<!tpu.dma_semaphore, #tpu.memory_space<semaphore_mem>>)
      %dma_wait3A = arith.constant 0 : i32
      %dma_wait3A_42 = arith.constant 0 : i32
      %dma_wait3A_43 = tpu.memref_slice %arg3[%run_scoped3A_7, %add3A, %dma_wait3A, %dma_wait3A_42] : memref<2x32x200x50xi32, #tpu.memory_space<hbm>> -> memref<1x1x40x50xi32, #tpu.memory_space<hbm>>
      %dma_wait3A_44 = tpu.memref_squeeze %dma_wait3A_43 : memref<1x1x40x50xi32, #tpu.memory_space<hbm>> -> memref<40x50xi32, #tpu.memory_space<hbm>>
      %dma_wait3A_45 = arith.constant 0 : i32
      %dma_wait3A_46 = arith.constant 0 : i32
      %dma_wait3A_47 = tpu.memref_slice %arg3[%run_scoped3A_7, %add3A, %dma_wait3A_45, %dma_wait3A_46] : memref<2x32x200x50xi32, #tpu.memory_space<hbm>> -> memref<1x1x40x50xi32, #tpu.memory_space<hbm>>
      %dma_wait3A_48 = tpu.memref_squeeze %dma_wait3A_47 : memref<1x1x40x50xi32, #tpu.memory_space<hbm>> -> memref<40x50xi32, #tpu.memory_space<hbm>>
      tpu.wait_dma2 semaphore(%run_scoped3A_34 : memref<!tpu.dma_semaphore, #tpu.memory_space<semaphore_mem>>) src(%dma_wait3A_48 : memref<40x50xi32, #tpu.memory_space<hbm>>) dst(%arg6 : memref<40x50xi32, #tpu.memory_space<vmem>>)
      tpu.yield
    }) : () -> ()
    %lt3A_8 = arith.constant 15 : i32
    %lt3A_9 = arith.cmpi slt, %arg1, %lt3A_8 : i32
    %convert_element_type3A_10 = arith.extui %lt3A_9 : i1 to i32
    %cond3A_11 = arith.constant 0 : i32
    %cond3A_12 = arith.cmpi ne, %convert_element_type3A_10, %cond3A_11 : i32
    scf.if %cond3A_12 {
      %mul3A_34 = arith.constant 640 : i32
      %mul3A_35 = arith.muli %mul3A_34, %arg1 : i32
      %mul3A_36 = arith.constant 640 : i32
      %mul3A_37 = arith.muli %mul3A_36, %arg1 : i32
      %dma_wait3A = arith.constant 0 : i32
      %dma_wait3A_38 = tpu.memref_slice %arg8[%mul3A_37, %dma_wait3A] : memref<10000x64xf32, #tpu.memory_space<vmem_shared>> -> memref<640x64xf32, #tpu.memory_space<vmem_shared>>
      %dma_wait3A_39 = arith.constant 0 : i32
      %dma_wait3A_40 = tpu.memref_slice %arg2[%mul3A_35, %dma_wait3A_39] : memref<10000x64xf32, #tpu.memory_space<hbm>> -> memref<640x64xf32, #tpu.memory_space<hbm>>
      tpu.wait_dma2 semaphore(%arg9 : memref<!tpu.dma_semaphore, #tpu.memory_space<semaphore_mem>>) src(%dma_wait3A_40 : memref<640x64xf32, #tpu.memory_space<hbm>>) dst(%dma_wait3A_38 : memref<640x64xf32, #tpu.memory_space<vmem_shared>>)
    } else {
    }
    %eq3A_13 = arith.constant 15 : i32
    %eq3A_14 = arith.cmpi eq, %arg1, %eq3A_13 : i32
    %convert_element_type3A_15 = arith.extui %eq3A_14 : i1 to i32
    %cond3A_16 = arith.constant 0 : i32
    %cond3A_17 = arith.cmpi ne, %convert_element_type3A_15, %cond3A_16 : i32
    scf.if %cond3A_17 {
      %dma_wait3A = arith.constant 9600 : i32
      %dma_wait3A_34 = arith.constant 0 : i32
      %dma_wait3A_35 = tpu.memref_slice %arg8[%dma_wait3A, %dma_wait3A_34] : memref<10000x64xf32, #tpu.memory_space<vmem_shared>> -> memref<400x64xf32, #tpu.memory_space<vmem_shared>>
      %dma_wait3A_36 = arith.constant 9600 : i32
      %dma_wait3A_37 = arith.constant 0 : i32
      %dma_wait3A_38 = tpu.memref_slice %arg2[%dma_wait3A_36, %dma_wait3A_37] : memref<10000x64xf32, #tpu.memory_space<hbm>> -> memref<400x64xf32, #tpu.memory_space<hbm>>
      tpu.wait_dma2 semaphore(%arg9 : memref<!tpu.dma_semaphore, #tpu.memory_space<semaphore_mem>>) src(%dma_wait3A_38 : memref<400x64xf32, #tpu.memory_space<hbm>>) dst(%dma_wait3A_35 : memref<400x64xf32, #tpu.memory_space<vmem_shared>>)
    } else {
    }
    %barrier3A = arith.constant 0 : index
    tpu.barrier barrier_id(%barrier3A)
    %scan3A = arith.constant 0 : i32
    %scan3A_18 = arith.constant 0 : i32
    %scan3A_19 = arith.constant 5 : i32
    %scan3A_20 = arith.addi %scan3A_18, %scan3A_19 : i32
    %scan3A_21 = arith.constant 1 : i32
    scf.for %scan3A_34 = %scan3A_18 to %scan3A_20 step %scan3A_21  : i32 {
      %gt3A = arith.constant 0 : i32
      %gt3A_35 = arith.cmpi sgt, %scan3A_34, %gt3A : i32
      %convert_element_type3A_36 = arith.extui %gt3A_35 : i1 to i32
      %cond3A_37 = arith.constant 0 : i32
      %cond3A_38 = arith.cmpi ne, %convert_element_type3A_36, %cond3A_37 : i32
      scf.if %cond3A_38 {
        %mul3A_103 = arith.constant 40 : i32
        %mul3A_104 = arith.muli %mul3A_103, %scan3A_34 : i32
        %run_scoped3A_105 = arith.constant 0 : i32
        "tpu.region"() ({
          %run_scoped3A_109 = tpu.sem_alloc : memref<!tpu.dma_semaphore, #tpu.memory_space<semaphore_mem>>
          %dma_start3A_110 = arith.constant 0 : i32
          %dma_start3A_111 = tpu.memref_slice %arg3[%run_scoped3A_105, %add3A, %mul3A_104, %dma_start3A_110] : memref<2x32x200x50xi32, #tpu.memory_space<hbm>> -> memref<1x1x40x50xi32, #tpu.memory_space<hbm>>
          %dma_start3A_112 = tpu.memref_squeeze %dma_start3A_111 : memref<1x1x40x50xi32, #tpu.memory_space<hbm>> -> memref<40x50xi32, #tpu.memory_space<hbm>>
          %dma_start3A_113 = arith.constant 0 : i32
          %dma_start3A_114 = tpu.memref_slice %arg3[%run_scoped3A_105, %add3A, %mul3A_104, %dma_start3A_113] : memref<2x32x200x50xi32, #tpu.memory_space<hbm>> -> memref<1x1x40x50xi32, #tpu.memory_space<hbm>>
          %dma_start3A_115 = tpu.memref_squeeze %dma_start3A_114 : memref<1x1x40x50xi32, #tpu.memory_space<hbm>> -> memref<40x50xi32, #tpu.memory_space<hbm>>
          tpu.enqueue_dma source(%dma_start3A_115 : memref<40x50xi32, #tpu.memory_space<hbm>>) target(%arg5 : memref<40x50xi32, #tpu.memory_space<vmem>>) target_semaphore(%run_scoped3A_109 : memref<!tpu.dma_semaphore, #tpu.memory_space<semaphore_mem>>)
          %dma_wait3A_116 = arith.constant 0 : i32
          %dma_wait3A_117 = tpu.memref_slice %arg3[%run_scoped3A_105, %add3A, %mul3A_104, %dma_wait3A_116] : memref<2x32x200x50xi32, #tpu.memory_space<hbm>> -> memref<1x1x40x50xi32, #tpu.memory_space<hbm>>
          %dma_wait3A_118 = tpu.memref_squeeze %dma_wait3A_117 : memref<1x1x40x50xi32, #tpu.memory_space<hbm>> -> memref<40x50xi32, #tpu.memory_space<hbm>>
          %dma_wait3A_119 = arith.constant 0 : i32
          %dma_wait3A_120 = tpu.memref_slice %arg3[%run_scoped3A_105, %add3A, %mul3A_104, %dma_wait3A_119] : memref<2x32x200x50xi32, #tpu.memory_space<hbm>> -> memref<1x1x40x50xi32, #tpu.memory_space<hbm>>
          %dma_wait3A_121 = tpu.memref_squeeze %dma_wait3A_120 : memref<1x1x40x50xi32, #tpu.memory_space<hbm>> -> memref<40x50xi32, #tpu.memory_space<hbm>>
          tpu.wait_dma2 semaphore(%run_scoped3A_109 : memref<!tpu.dma_semaphore, #tpu.memory_space<semaphore_mem>>) src(%dma_wait3A_121 : memref<40x50xi32, #tpu.memory_space<hbm>>) dst(%arg5 : memref<40x50xi32, #tpu.memory_space<vmem>>)
          tpu.yield
        }) : () -> ()
        %mul3A_106 = arith.constant 40 : i32
        %mul3A_107 = arith.muli %mul3A_106, %scan3A_34 : i32
        %run_scoped3A_108 = arith.constant 1 : i32
        "tpu.region"() ({
          %run_scoped3A_109 = tpu.sem_alloc : memref<!tpu.dma_semaphore, #tpu.memory_space<semaphore_mem>>
          %dma_start3A_110 = arith.constant 0 : i32
          %dma_start3A_111 = tpu.memref_slice %arg3[%run_scoped3A_108, %add3A, %mul3A_107, %dma_start3A_110] : memref<2x32x200x50xi32, #tpu.memory_space<hbm>> -> memref<1x1x40x50xi32, #tpu.memory_space<hbm>>
          %dma_start3A_112 = tpu.memref_squeeze %dma_start3A_111 : memref<1x1x40x50xi32, #tpu.memory_space<hbm>> -> memref<40x50xi32, #tpu.memory_space<hbm>>
          %dma_start3A_113 = arith.constant 0 : i32
          %dma_start3A_114 = tpu.memref_slice %arg3[%run_scoped3A_108, %add3A, %mul3A_107, %dma_start3A_113] : memref<2x32x200x50xi32, #tpu.memory_space<hbm>> -> memref<1x1x40x50xi32, #tpu.memory_space<hbm>>
          %dma_start3A_115 = tpu.memref_squeeze %dma_start3A_114 : memref<1x1x40x50xi32, #tpu.memory_space<hbm>> -> memref<40x50xi32, #tpu.memory_space<hbm>>
          tpu.enqueue_dma source(%dma_start3A_115 : memref<40x50xi32, #tpu.memory_space<hbm>>) target(%arg6 : memref<40x50xi32, #tpu.memory_space<vmem>>) target_semaphore(%run_scoped3A_109 : memref<!tpu.dma_semaphore, #tpu.memory_space<semaphore_mem>>)
          %dma_wait3A_116 = arith.constant 0 : i32
          %dma_wait3A_117 = tpu.memref_slice %arg3[%run_scoped3A_108, %add3A, %mul3A_107, %dma_wait3A_116] : memref<2x32x200x50xi32, #tpu.memory_space<hbm>> -> memref<1x1x40x50xi32, #tpu.memory_space<hbm>>
          %dma_wait3A_118 = tpu.memref_squeeze %dma_wait3A_117 : memref<1x1x40x50xi32, #tpu.memory_space<hbm>> -> memref<40x50xi32, #tpu.memory_space<hbm>>
          %dma_wait3A_119 = arith.constant 0 : i32
          %dma_wait3A_120 = tpu.memref_slice %arg3[%run_scoped3A_108, %add3A, %mul3A_107, %dma_wait3A_119] : memref<2x32x200x50xi32, #tpu.memory_space<hbm>> -> memref<1x1x40x50xi32, #tpu.memory_space<hbm>>
          %dma_wait3A_121 = tpu.memref_squeeze %dma_wait3A_120 : memref<1x1x40x50xi32, #tpu.memory_space<hbm>> -> memref<40x50xi32, #tpu.memory_space<hbm>>
          tpu.wait_dma2 semaphore(%run_scoped3A_109 : memref<!tpu.dma_semaphore, #tpu.memory_space<semaphore_mem>>) src(%dma_wait3A_121 : memref<40x50xi32, #tpu.memory_space<hbm>>) dst(%arg6 : memref<40x50xi32, #tpu.memory_space<vmem>>)
          tpu.yield
        }) : () -> ()
      } else {
      }
      %dma_start3A = arith.constant 0 : i32
      %dma_start3A_39 = arith.constant 0 : i32
      %dma_start3A_40 = arith.constant 0 : i32
      %dma_start3A_41 = arith.constant 0 : i32
      %dma_start3A_42 = tpu.memref_slice %arg7[%dma_start3A_39, %dma_start3A_40, %dma_start3A_41] : memref<5x50x64xf32, #tpu.memory_space<vmem>> -> memref<1x50x64xf32, #tpu.memory_space<vmem>>
      %dma_start3A_43 = tpu.memref_squeeze %dma_start3A_42 : memref<1x50x64xf32, #tpu.memory_space<vmem>> -> memref<50x64xf32, #tpu.memory_space<vmem>>
      %dma_start3A_44 = arith.constant 0 : i32
      %dma_start3A_45 = tpu.memref_slice %arg5[%dma_start3A, %dma_start3A_44] : memref<40x50xi32, #tpu.memory_space<vmem>> -> memref<1x50xi32, #tpu.memory_space<vmem>>
      %dma_start3A_46 = tpu.memref_squeeze %dma_start3A_45 : memref<1x50xi32, #tpu.memory_space<vmem>> -> memref<50xi32, #tpu.memory_space<vmem>>
      %dma_start3A_47 = arith.constant 0 : i32
      %dma_start3A_48 = arith.constant 0 : i32
      %dma_start3A_49 = tpu.memref_slice %arg2[%dma_start3A_47, %dma_start3A_48] : memref<10000x64xf32, #tpu.memory_space<hbm>> -> memref<10000x64xf32, #tpu.memory_space<hbm>>
      tpu.enqueue_indirect_dma source(%dma_start3A_49 : memref<10000x64xf32, #tpu.memory_space<hbm>>) target(%dma_start3A_43 : memref<50x64xf32, #tpu.memory_space<vmem>>) offsets(%dma_start3A_46 : memref<50xi32, #tpu.memory_space<vmem>>) semaphore(%arg9 : memref<!tpu.dma_semaphore, #tpu.memory_space<semaphore_mem>>)
      %dma_start3A_50 = arith.constant 1 : i32
      %dma_start3A_51 = arith.constant 1 : i32
      %dma_start3A_52 = arith.constant 0 : i32
      %dma_start3A_53 = arith.constant 0 : i32
      %dma_start3A_54 = tpu.memref_slice %arg7[%dma_start3A_51, %dma_start3A_52, %dma_start3A_53] : memref<5x50x64xf32, #tpu.memory_space<vmem>> -> memref<1x50x64xf32, #tpu.memory_space<vmem>>
      %dma_start3A_55 = tpu.memref_squeeze %dma_start3A_54 : memref<1x50x64xf32, #tpu.memory_space<vmem>> -> memref<50x64xf32, #tpu.memory_space<vmem>>
      %dma_start3A_56 = arith.constant 0 : i32
      %dma_start3A_57 = tpu.memref_slice %arg5[%dma_start3A_50, %dma_start3A_56] : memref<40x50xi32, #tpu.memory_space<vmem>> -> memref<1x50xi32, #tpu.memory_space<vmem>>
      %dma_start3A_58 = tpu.memref_squeeze %dma_start3A_57 : memref<1x50xi32, #tpu.memory_space<vmem>> -> memref<50xi32, #tpu.memory_space<vmem>>
      %dma_start3A_59 = arith.constant 0 : i32
      %dma_start3A_60 = arith.constant 0 : i32
      %dma_start3A_61 = tpu.memref_slice %arg2[%dma_start3A_59, %dma_start3A_60] : memref<10000x64xf32, #tpu.memory_space<hbm>> -> memref<10000x64xf32, #tpu.memory_space<hbm>>
      tpu.enqueue_indirect_dma source(%dma_start3A_61 : memref<10000x64xf32, #tpu.memory_space<hbm>>) target(%dma_start3A_55 : memref<50x64xf32, #tpu.memory_space<vmem>>) offsets(%dma_start3A_58 : memref<50xi32, #tpu.memory_space<vmem>>) semaphore(%arg9 : memref<!tpu.dma_semaphore, #tpu.memory_space<semaphore_mem>>)
      %dma_start3A_62 = arith.constant 2 : i32
      %dma_start3A_63 = arith.constant 2 : i32
      %dma_start3A_64 = arith.constant 0 : i32
      %dma_start3A_65 = arith.constant 0 : i32
      %dma_start3A_66 = tpu.memref_slice %arg7[%dma_start3A_63, %dma_start3A_64, %dma_start3A_65] : memref<5x50x64xf32, #tpu.memory_space<vmem>> -> memref<1x50x64xf32, #tpu.memory_space<vmem>>
      %dma_start3A_67 = tpu.memref_squeeze %dma_start3A_66 : memref<1x50x64xf32, #tpu.memory_space<vmem>> -> memref<50x64xf32, #tpu.memory_space<vmem>>
      %dma_start3A_68 = arith.constant 0 : i32
      %dma_start3A_69 = tpu.memref_slice %arg5[%dma_start3A_62, %dma_start3A_68] : memref<40x50xi32, #tpu.memory_space<vmem>> -> memref<1x50xi32, #tpu.memory_space<vmem>>
      %dma_start3A_70 = tpu.memref_squeeze %dma_start3A_69 : memref<1x50xi32, #tpu.memory_space<vmem>> -> memref<50xi32, #tpu.memory_space<vmem>>
      %dma_start3A_71 = arith.constant 0 : i32
      %dma_start3A_72 = arith.constant 0 : i32
      %dma_start3A_73 = tpu.memref_slice %arg2[%dma_start3A_71, %dma_start3A_72] : memref<10000x64xf32, #tpu.memory_space<hbm>> -> memref<10000x64xf32, #tpu.memory_space<hbm>>
      tpu.enqueue_indirect_dma source(%dma_start3A_73 : memref<10000x64xf32, #tpu.memory_space<hbm>>) target(%dma_start3A_67 : memref<50x64xf32, #tpu.memory_space<vmem>>) offsets(%dma_start3A_70 : memref<50xi32, #tpu.memory_space<vmem>>) semaphore(%arg9 : memref<!tpu.dma_semaphore, #tpu.memory_space<semaphore_mem>>)
      %dma_start3A_74 = arith.constant 3 : i32
      %dma_start3A_75 = arith.constant 3 : i32
      %dma_start3A_76 = arith.constant 0 : i32
      %dma_start3A_77 = arith.constant 0 : i32
      %dma_start3A_78 = tpu.memref_slice %arg7[%dma_start3A_75, %dma_start3A_76, %dma_start3A_77] : memref<5x50x64xf32, #tpu.memory_space<vmem>> -> memref<1x50x64xf32, #tpu.memory_space<vmem>>
      %dma_start3A_79 = tpu.memref_squeeze %dma_start3A_78 : memref<1x50x64xf32, #tpu.memory_space<vmem>> -> memref<50x64xf32, #tpu.memory_space<vmem>>
      %dma_start3A_80 = arith.constant 0 : i32
      %dma_start3A_81 = tpu.memref_slice %arg5[%dma_start3A_74, %dma_start3A_80] : memref<40x50xi32, #tpu.memory_space<vmem>> -> memref<1x50xi32, #tpu.memory_space<vmem>>
      %dma_start3A_82 = tpu.memref_squeeze %dma_start3A_81 : memref<1x50xi32, #tpu.memory_space<vmem>> -> memref<50xi32, #tpu.memory_space<vmem>>
      %dma_start3A_83 = arith.constant 0 : i32
      %dma_start3A_84 = arith.constant 0 : i32
      %dma_start3A_85 = tpu.memref_slice %arg2[%dma_start3A_83, %dma_start3A_84] : memref<10000x64xf32, #tpu.memory_space<hbm>> -> memref<10000x64xf32, #tpu.memory_space<hbm>>
      tpu.enqueue_indirect_dma source(%dma_start3A_85 : memref<10000x64xf32, #tpu.memory_space<hbm>>) target(%dma_start3A_79 : memref<50x64xf32, #tpu.memory_space<vmem>>) offsets(%dma_start3A_82 : memref<50xi32, #tpu.memory_space<vmem>>) semaphore(%arg9 : memref<!tpu.dma_semaphore, #tpu.memory_space<semaphore_mem>>)
      %scan3A_86 = arith.constant 0 : i32
      %scan3A_87 = arith.constant 0 : i32
      %scan3A_88 = arith.constant 40 : i32
      %scan3A_89 = arith.addi %scan3A_87, %scan3A_88 : i32
      %scan3A_90 = arith.constant 1 : i32
      scf.for %scan3A_103 = %scan3A_87 to %scan3A_89 step %scan3A_90  : i32 {
        %rem3A = arith.constant 5 : i32
        %rem3A_104 = arith.remsi %scan3A_103, %rem3A : i32
        %dma_wait3A_105 = arith.constant 0 : i32
        %dma_wait3A_106 = arith.constant 0 : i32
        %dma_wait3A_107 = tpu.memref_slice %arg7[%rem3A_104, %dma_wait3A_105, %dma_wait3A_106] : memref<5x50x64xf32, #tpu.memory_space<vmem>> -> memref<1x50x64xf32, #tpu.memory_space<vmem>>
        %dma_wait3A_108 = tpu.memref_squeeze %dma_wait3A_107 : memref<1x50x64xf32, #tpu.memory_space<vmem>> -> memref<50x64xf32, #tpu.memory_space<vmem>>
        %dma_wait3A_109 = arith.constant 0 : i32
        %dma_wait3A_110 = tpu.memref_slice %arg5[%scan3A_103, %dma_wait3A_109] : memref<40x50xi32, #tpu.memory_space<vmem>> -> memref<1x50xi32, #tpu.memory_space<vmem>>
        %dma_wait3A_111 = tpu.memref_squeeze %dma_wait3A_110 : memref<1x50xi32, #tpu.memory_space<vmem>> -> memref<50xi32, #tpu.memory_space<vmem>>
        %dma_wait3A_112 = arith.constant 0 : i32
        %dma_wait3A_113 = arith.constant 0 : i32
        %dma_wait3A_114 = tpu.memref_slice %arg2[%dma_wait3A_112, %dma_wait3A_113] : memref<10000x64xf32, #tpu.memory_space<hbm>> -> memref<10000x64xf32, #tpu.memory_space<hbm>>
        tpu.wait_indirect_dma semaphore(%arg9 : memref<!tpu.dma_semaphore, #tpu.memory_space<semaphore_mem>>) src(%dma_wait3A_114 : memref<10000x64xf32, #tpu.memory_space<hbm>>) dst(%dma_wait3A_108 : memref<50x64xf32, #tpu.memory_space<vmem>>)
        %dma_start3A_115 = arith.constant 0 : i32
        %dma_start3A_116 = arith.constant 0 : i32
        %dma_start3A_117 = tpu.memref_slice %arg7[%rem3A_104, %dma_start3A_115, %dma_start3A_116] : memref<5x50x64xf32, #tpu.memory_space<vmem>> -> memref<1x50x64xf32, #tpu.memory_space<vmem>>
        %dma_start3A_118 = tpu.memref_squeeze %dma_start3A_117 : memref<1x50x64xf32, #tpu.memory_space<vmem>> -> memref<50x64xf32, #tpu.memory_space<vmem>>
        %dma_start3A_119 = arith.constant 0 : i32
        %dma_start3A_120 = tpu.memref_slice %arg6[%scan3A_103, %dma_start3A_119] : memref<40x50xi32, #tpu.memory_space<vmem>> -> memref<1x50xi32, #tpu.memory_space<vmem>>
        %dma_start3A_121 = tpu.memref_squeeze %dma_start3A_120 : memref<1x50xi32, #tpu.memory_space<vmem>> -> memref<50xi32, #tpu.memory_space<vmem>>
        %dma_start3A_122 = arith.constant 0 : i32
        %dma_start3A_123 = arith.constant 0 : i32
        %dma_start3A_124 = tpu.memref_slice %arg8[%dma_start3A_122, %dma_start3A_123] : memref<10000x64xf32, #tpu.memory_space<vmem_shared>> -> memref<10000x64xf32, #tpu.memory_space<vmem_shared>>
        tpu.enqueue_indirect_dma source(%dma_start3A_118 : memref<50x64xf32, #tpu.memory_space<vmem>>) target(%dma_start3A_124 : memref<10000x64xf32, #tpu.memory_space<vmem_shared>>) offsets(%dma_start3A_121 : memref<50xi32, #tpu.memory_space<vmem>>) semaphore(%arg10 : memref<!tpu.dma_semaphore, #tpu.memory_space<semaphore_mem>>) {add = true}
        %gt3A_125 = arith.constant 0 : i32
        %gt3A_126 = arith.cmpi sgt, %scan3A_103, %gt3A_125 : i32
        %convert_element_type3A_127 = arith.extui %gt3A_126 : i1 to i32
        %cond3A_128 = arith.constant 0 : i32
        %cond3A_129 = arith.cmpi ne, %convert_element_type3A_127, %cond3A_128 : i32
        scf.if %cond3A_129 {
          %dma_wait3A_138 = arith.constant 0 : i32
          %dma_wait3A_139 = arith.constant 0 : i32
          %dma_wait3A_140 = arith.constant 0 : i32
          %dma_wait3A_141 = tpu.memref_slice %arg7[%rem3A_104, %dma_wait3A_139, %dma_wait3A_140] : memref<5x50x64xf32, #tpu.memory_space<vmem>> -> memref<1x50x64xf32, #tpu.memory_space<vmem>>
          %dma_wait3A_142 = tpu.memref_squeeze %dma_wait3A_141 : memref<1x50x64xf32, #tpu.memory_space<vmem>> -> memref<50x64xf32, #tpu.memory_space<vmem>>
          %dma_wait3A_143 = arith.constant 0 : i32
          %dma_wait3A_144 = tpu.memref_slice %arg6[%dma_wait3A_138, %dma_wait3A_143] : memref<40x50xi32, #tpu.memory_space<vmem>> -> memref<1x50xi32, #tpu.memory_space<vmem>>
          %dma_wait3A_145 = tpu.memref_squeeze %dma_wait3A_144 : memref<1x50xi32, #tpu.memory_space<vmem>> -> memref<50xi32, #tpu.memory_space<vmem>>
          %dma_wait3A_146 = arith.constant 0 : i32
          %dma_wait3A_147 = arith.constant 0 : i32
          %dma_wait3A_148 = tpu.memref_slice %arg8[%dma_wait3A_146, %dma_wait3A_147] : memref<10000x64xf32, #tpu.memory_space<vmem_shared>> -> memref<10000x64xf32, #tpu.memory_space<vmem_shared>>
          tpu.wait_indirect_dma semaphore(%arg10 : memref<!tpu.dma_semaphore, #tpu.memory_space<semaphore_mem>>) src(%dma_wait3A_142 : memref<50x64xf32, #tpu.memory_space<vmem>>) dst(%dma_wait3A_148 : memref<10000x64xf32, #tpu.memory_space<vmem_shared>>)
        } else {
        }
        %add3A_130 = arith.constant 5 : i32
        %add3A_131 = arith.addi %scan3A_103, %add3A_130 : i32
        %sub3A = arith.constant 1 : i32
        %sub3A_132 = arith.subi %add3A_131, %sub3A : i32
        %lt3A_133 = arith.constant 40 : i32
        %lt3A_134 = arith.cmpi slt, %sub3A_132, %lt3A_133 : i32
        %convert_element_type3A_135 = arith.extui %lt3A_134 : i1 to i32
        %cond3A_136 = arith.constant 0 : i32
        %cond3A_137 = arith.cmpi ne, %convert_element_type3A_135, %cond3A_136 : i32
        scf.if %cond3A_137 {
          %add3A_138 = arith.constant 5 : i32
          %add3A_139 = arith.addi %scan3A_103, %add3A_138 : i32
          %sub3A_140 = arith.constant 1 : i32
          %sub3A_141 = arith.subi %add3A_139, %sub3A_140 : i32
          %rem3A_142 = arith.constant 5 : i32
          %rem3A_143 = arith.remsi %sub3A_141, %rem3A_142 : i32
          %add3A_144 = arith.constant 5 : i32
          %add3A_145 = arith.addi %scan3A_103, %add3A_144 : i32
          %sub3A_146 = arith.constant 1 : i32
          %sub3A_147 = arith.subi %add3A_145, %sub3A_146 : i32
          %dma_start3A_148 = arith.constant 0 : i32
          %dma_start3A_149 = arith.constant 0 : i32
          %dma_start3A_150 = tpu.memref_slice %arg7[%rem3A_143, %dma_start3A_148, %dma_start3A_149] : memref<5x50x64xf32, #tpu.memory_space<vmem>> -> memref<1x50x64xf32, #tpu.memory_space<vmem>>
          %dma_start3A_151 = tpu.memref_squeeze %dma_start3A_150 : memref<1x50x64xf32, #tpu.memory_space<vmem>> -> memref<50x64xf32, #tpu.memory_space<vmem>>
          %dma_start3A_152 = arith.constant 0 : i32
          %dma_start3A_153 = tpu.memref_slice %arg5[%sub3A_147, %dma_start3A_152] : memref<40x50xi32, #tpu.memory_space<vmem>> -> memref<1x50xi32, #tpu.memory_space<vmem>>
          %dma_start3A_154 = tpu.memref_squeeze %dma_start3A_153 : memref<1x50xi32, #tpu.memory_space<vmem>> -> memref<50xi32, #tpu.memory_space<vmem>>
          %dma_start3A_155 = arith.constant 0 : i32
          %dma_start3A_156 = arith.constant 0 : i32
          %dma_start3A_157 = tpu.memref_slice %arg2[%dma_start3A_155, %dma_start3A_156] : memref<10000x64xf32, #tpu.memory_space<hbm>> -> memref<10000x64xf32, #tpu.memory_space<hbm>>
          tpu.enqueue_indirect_dma source(%dma_start3A_157 : memref<10000x64xf32, #tpu.memory_space<hbm>>) target(%dma_start3A_151 : memref<50x64xf32, #tpu.memory_space<vmem>>) offsets(%dma_start3A_154 : memref<50xi32, #tpu.memory_space<vmem>>) semaphore(%arg9 : memref<!tpu.dma_semaphore, #tpu.memory_space<semaphore_mem>>)
        } else {
        }
      }
      %scan3A_91 = arith.constant 40 : i32
      %dma_wait3A = arith.constant 0 : i32
      %dma_wait3A_92 = arith.constant 0 : i32
      %dma_wait3A_93 = arith.constant 0 : i32
      %dma_wait3A_94 = arith.constant 0 : i32
      %dma_wait3A_95 = tpu.memref_slice %arg7[%dma_wait3A, %dma_wait3A_93, %dma_wait3A_94] : memref<5x50x64xf32, #tpu.memory_space<vmem>> -> memref<1x50x64xf32, #tpu.memory_space<vmem>>
      %dma_wait3A_96 = tpu.memref_squeeze %dma_wait3A_95 : memref<1x50x64xf32, #tpu.memory_space<vmem>> -> memref<50x64xf32, #tpu.memory_space<vmem>>
      %dma_wait3A_97 = arith.constant 0 : i32
      %dma_wait3A_98 = tpu.memref_slice %arg6[%dma_wait3A_92, %dma_wait3A_97] : memref<40x50xi32, #tpu.memory_space<vmem>> -> memref<1x50xi32, #tpu.memory_space<vmem>>
      %dma_wait3A_99 = tpu.memref_squeeze %dma_wait3A_98 : memref<1x50xi32, #tpu.memory_space<vmem>> -> memref<50xi32, #tpu.memory_space<vmem>>
      %dma_wait3A_100 = arith.constant 0 : i32
      %dma_wait3A_101 = arith.constant 0 : i32
      %dma_wait3A_102 = tpu.memref_slice %arg8[%dma_wait3A_100, %dma_wait3A_101] : memref<10000x64xf32, #tpu.memory_space<vmem_shared>> -> memref<10000x64xf32, #tpu.memory_space<vmem_shared>>
      tpu.wait_indirect_dma semaphore(%arg10 : memref<!tpu.dma_semaphore, #tpu.memory_space<semaphore_mem>>) src(%dma_wait3A_96 : memref<50x64xf32, #tpu.memory_space<vmem>>) dst(%dma_wait3A_102 : memref<10000x64xf32, #tpu.memory_space<vmem_shared>>)
    }
    %scan3A_22 = arith.constant 5 : i32
    %barrier3A_23 = arith.constant 0 : index
    tpu.barrier barrier_id(%barrier3A_23)
    %lt3A_24 = arith.constant 15 : i32
    %lt3A_25 = arith.cmpi slt, %arg1, %lt3A_24 : i32
    %convert_element_type3A_26 = arith.extui %lt3A_25 : i1 to i32
    %cond3A_27 = arith.constant 0 : i32
    %cond3A_28 = arith.cmpi ne, %convert_element_type3A_26, %cond3A_27 : i32
    scf.if %cond3A_28 {
      %mul3A_34 = arith.constant 640 : i32
      %mul3A_35 = arith.muli %mul3A_34, %arg1 : i32
      %mul3A_36 = arith.constant 640 : i32
      %mul3A_37 = arith.muli %mul3A_36, %arg1 : i32
      "tpu.region"() ({
        %run_scoped3A_38 = tpu.sem_alloc : memref<!tpu.dma_semaphore, #tpu.memory_space<semaphore_mem>>
        %dma_start3A = arith.constant 0 : i32
        %dma_start3A_39 = tpu.memref_slice %arg4[%arg0, %mul3A_37, %dma_start3A] : memref<2x10000x64xf32, #tpu.memory_space<hbm>> -> memref<1x640x64xf32, #tpu.memory_space<hbm>>
        %dma_start3A_40 = tpu.memref_squeeze %dma_start3A_39 : memref<1x640x64xf32, #tpu.memory_space<hbm>> -> memref<640x64xf32, #tpu.memory_space<hbm>>
        %dma_start3A_41 = arith.constant 0 : i32
        %dma_start3A_42 = tpu.memref_slice %arg8[%mul3A_35, %dma_start3A_41] : memref<10000x64xf32, #tpu.memory_space<vmem_shared>> -> memref<640x64xf32, #tpu.memory_space<vmem_shared>>
        tpu.enqueue_dma source(%dma_start3A_42 : memref<640x64xf32, #tpu.memory_space<vmem_shared>>) target(%dma_start3A_40 : memref<640x64xf32, #tpu.memory_space<hbm>>) target_semaphore(%run_scoped3A_38 : memref<!tpu.dma_semaphore, #tpu.memory_space<semaphore_mem>>)
        %dma_wait3A = arith.constant 0 : i32
        %dma_wait3A_43 = tpu.memref_slice %arg4[%arg0, %mul3A_37, %dma_wait3A] : memref<2x10000x64xf32, #tpu.memory_space<hbm>> -> memref<1x640x64xf32, #tpu.memory_space<hbm>>
        %dma_wait3A_44 = tpu.memref_squeeze %dma_wait3A_43 : memref<1x640x64xf32, #tpu.memory_space<hbm>> -> memref<640x64xf32, #tpu.memory_space<hbm>>
        %dma_wait3A_45 = arith.constant 0 : i32
        %dma_wait3A_46 = tpu.memref_slice %arg8[%mul3A_35, %dma_wait3A_45] : memref<10000x64xf32, #tpu.memory_space<vmem_shared>> -> memref<640x64xf32, #tpu.memory_space<vmem_shared>>
        tpu.wait_dma2 semaphore(%run_scoped3A_38 : memref<!tpu.dma_semaphore, #tpu.memory_space<semaphore_mem>>) src(%dma_wait3A_46 : memref<640x64xf32, #tpu.memory_space<vmem_shared>>) dst(%dma_wait3A_44 : memref<640x64xf32, #tpu.memory_space<hbm>>)
        tpu.yield
      }) : () -> ()
    } else {
    }
    %eq3A_29 = arith.constant 15 : i32
    %eq3A_30 = arith.cmpi eq, %arg1, %eq3A_29 : i32
    %convert_element_type3A_31 = arith.extui %eq3A_30 : i1 to i32
    %cond3A_32 = arith.constant 0 : i32
    %cond3A_33 = arith.cmpi ne, %convert_element_type3A_31, %cond3A_32 : i32
    scf.if %cond3A_33 {
      "tpu.region"() ({
        %run_scoped3A_34 = tpu.sem_alloc : memref<!tpu.dma_semaphore, #tpu.memory_space<semaphore_mem>>
        %dma_start3A = arith.constant 9600 : i32
        %dma_start3A_35 = arith.constant 0 : i32
        %dma_start3A_36 = tpu.memref_slice %arg4[%arg0, %dma_start3A, %dma_start3A_35] : memref<2x10000x64xf32, #tpu.memory_space<hbm>> -> memref<1x400x64xf32, #tpu.memory_space<hbm>>
        %dma_start3A_37 = tpu.memref_squeeze %dma_start3A_36 : memref<1x400x64xf32, #tpu.memory_space<hbm>> -> memref<400x64xf32, #tpu.memory_space<hbm>>
        %dma_start3A_38 = arith.constant 9600 : i32
        %dma_start3A_39 = arith.constant 0 : i32
        %dma_start3A_40 = tpu.memref_slice %arg8[%dma_start3A_38, %dma_start3A_39] : memref<10000x64xf32, #tpu.memory_space<vmem_shared>> -> memref<400x64xf32, #tpu.memory_space<vmem_shared>>
        tpu.enqueue_dma source(%dma_start3A_40 : memref<400x64xf32, #tpu.memory_space<vmem_shared>>) target(%dma_start3A_37 : memref<400x64xf32, #tpu.memory_space<hbm>>) target_semaphore(%run_scoped3A_34 : memref<!tpu.dma_semaphore, #tpu.memory_space<semaphore_mem>>)
        %dma_wait3A = arith.constant 9600 : i32
        %dma_wait3A_41 = arith.constant 0 : i32
        %dma_wait3A_42 = tpu.memref_slice %arg4[%arg0, %dma_wait3A, %dma_wait3A_41] : memref<2x10000x64xf32, #tpu.memory_space<hbm>> -> memref<1x400x64xf32, #tpu.memory_space<hbm>>
        %dma_wait3A_43 = tpu.memref_squeeze %dma_wait3A_42 : memref<1x400x64xf32, #tpu.memory_space<hbm>> -> memref<400x64xf32, #tpu.memory_space<hbm>>
        %dma_wait3A_44 = arith.constant 9600 : i32
        %dma_wait3A_45 = arith.constant 0 : i32
        %dma_wait3A_46 = tpu.memref_slice %arg8[%dma_wait3A_44, %dma_wait3A_45] : memref<10000x64xf32, #tpu.memory_space<vmem_shared>> -> memref<400x64xf32, #tpu.memory_space<vmem_shared>>
        tpu.wait_dma2 semaphore(%run_scoped3A_34 : memref<!tpu.dma_semaphore, #tpu.memory_space<semaphore_mem>>) src(%dma_wait3A_46 : memref<400x64xf32, #tpu.memory_space<vmem_shared>>) dst(%dma_wait3A_43 : memref<400x64xf32, #tpu.memory_space<hbm>>)
        tpu.yield
      }) : () -> ()
    } else {
    }
    return
  }
}

module attributes {stable_mosaic.version = 14 : i64} {
  func.func @_tc0_body(%arg0: i32, %arg1: memref<1000x128xf32, #tpu.memory_space<vmem>>, %arg2: memref<128x64xf32, #tpu.memory_space<vmem>>, %arg3: memref<1000x64xf32, #tpu.memory_space<vmem>>) attributes {dimension_semantics = [#tpu.dimension_semantics<arbitrary>], iteration_bounds = array<i64: 10>, scalar_prefetch = 0 : i64, scratch_operands = 0 : i64, tpu.core_type = #tpu.core_type<tc>, window_params = [{transform_indices = @transform_0, window_bounds = array<i64: 1000, 128>}, {pipeline_mode = #tpu.pipeline_mode<synchronous>, transform_indices = @transform_1, window_bounds = array<i64: 128, 64>}, {transform_indices = @transform_2, window_bounds = array<i64: 1000, 64>}]} {
    %get3A = arith.constant 0 : index
    %get3A_0 = arith.constant 0 : index
    %get3A_1 = vector.load %arg1[%get3A, %get3A_0] : memref<1000x128xf32, #tpu.memory_space<vmem>>, vector<1000x128xf32>
    %get3A_2 = arith.constant 0 : index
    %get3A_3 = arith.constant 0 : index
    %get3A_4 = vector.load %arg2[%get3A_2, %get3A_3] : memref<128x64xf32, #tpu.memory_space<vmem>>, vector<128x64xf32>
    %dot_general3A = arith.constant dense<0.000000e+00> : vector<1000x64xf32>
    %dot_general3A_5 = tpu.matmul %get3A_1, %get3A_4, %dot_general3A {dimension_numbers = #tpu.dot_dimension_numbers<[1], [0], [0], [1], [0, 0, 1, 1], [], []>, transpose_lhs_hint = false} : vector<1000x128xf32>, vector<128x64xf32>, vector<1000x64xf32> -> vector<1000x64xf32>
    %swap3A = arith.constant 0 : index
    %swap3A_6 = arith.constant 0 : index
    %swap3A_7 = vector.load %arg3[%swap3A, %swap3A_6] : memref<1000x64xf32, #tpu.memory_space<vmem>>, vector<1000x64xf32>
    tpu.vector_store %arg3[%swap3A, %swap3A_6], %dot_general3A_5 {strides = array<i32>} : memref<1000x64xf32, #tpu.memory_space<vmem>>, vector<1000x64xf32>,
    return
  }
  func.func @transform_0(%arg0: i32) -> (i32, i32) {
    %c0_i32 = arith.constant 0 : i32
    %c0_i32_0 = arith.constant 0 : i32
    return %arg0, %c0_i32 : i32, i32
  }
  func.func @transform_1(%arg0: i32) -> (i32, i32) {
    %c0_i32 = arith.constant 0 : i32
    %c0_i32_0 = arith.constant 0 : i32
    %c0_i32_1 = arith.constant 0 : i32
    return %c0_i32, %c0_i32_0 : i32, i32
  }
  func.func @transform_2(%arg0: i32) -> (i32, i32) {
    %c0_i32 = arith.constant 0 : i32
    %c0_i32_0 = arith.constant 0 : i32
    return %arg0, %c0_i32 : i32, i32
  }
}

module attributes {stable_mosaic.version = 14 : i64} {
  func.func @_tc1_body(%arg0: i32, %arg1: memref<1000x64xf32, #tpu.memory_space<vmem>>, %arg2: memref<1000x1xf32, #tpu.memory_space<vmem>>, %arg3: memref<1000x1xf32, #tpu.memory_space<vmem>>, %arg4: memref<1000x64xf32, #tpu.memory_space<vmem>>, %arg5: memref<1000x1xf32, #tpu.memory_space<vmem>>) attributes {dimension_semantics = [#tpu.dimension_semantics<arbitrary>], iteration_bounds = array<i64: 10>, scalar_prefetch = 0 : i64, scratch_operands = 0 : i64, tpu.core_type = #tpu.core_type<tc>, window_params = [{transform_indices = @transform_0, window_bounds = array<i64: 1000, 64>}, {transform_indices = @transform_1, window_bounds = array<i64: 1000, 1>}, {transform_indices = @transform_2, window_bounds = array<i64: 1000, 1>}, {transform_indices = @transform_3, window_bounds = array<i64: 1000, 64>}, {transform_indices = @transform_4, window_bounds = array<i64: 1000, 1>}]} {
    %get3A = arith.constant 0 : index
    %get3A_0 = arith.constant 0 : index
    %get3A_1 = vector.load %arg2[%get3A, %get3A_0] : memref<1000x1xf32, #tpu.memory_space<vmem>>, vector<1000x1xf32>
    %get3A_2 = arith.constant 0 : index
    %get3A_3 = arith.constant 0 : index
    %get3A_4 = vector.load %arg3[%get3A_2, %get3A_3] : memref<1000x1xf32, #tpu.memory_space<vmem>>, vector<1000x1xf32>
    %add3A = arith.addf %get3A_1, %get3A_4 : vector<1000x1xf32>
    %add3A_5 = arith.constant 1.000000e+00 : f32
    %add3A_6 = vector.broadcast %add3A_5 : f32 to vector<1000x1xf32>
    %add3A_7 = arith.addf %add3A, %add3A_6 : vector<1000x1xf32>
    %rsqrt3A = math.rsqrt %add3A_7 : vector<1000x1xf32>
    %get3A_8 = arith.constant 0 : index
    %get3A_9 = arith.constant 0 : index
    %get3A_10 = vector.load %arg1[%get3A_8, %get3A_9] : memref<1000x64xf32, #tpu.memory_space<vmem>>, vector<1000x64xf32>
    %mul3A = vector.broadcast %rsqrt3A : vector<1000x1xf32> to vector<1000x64xf32>
    %mul3A_11 = arith.mulf %get3A_10, %mul3A : vector<1000x64xf32>
    %swap3A = arith.constant 0 : index
    %swap3A_12 = arith.constant 0 : index
    %swap3A_13 = vector.load %arg4[%swap3A, %swap3A_12] : memref<1000x64xf32, #tpu.memory_space<vmem>>, vector<1000x64xf32>
    tpu.vector_store %arg4[%swap3A, %swap3A_12], %mul3A_11 {strides = array<i32>} : memref<1000x64xf32, #tpu.memory_space<vmem>>, vector<1000x64xf32>,
    %swap3A_14 = arith.constant 0 : index
    %swap3A_15 = arith.constant 0 : index
    %swap3A_16 = vector.load %arg5[%swap3A_14, %swap3A_15] : memref<1000x1xf32, #tpu.memory_space<vmem>>, vector<1000x1xf32>
    tpu.vector_store %arg5[%swap3A_14, %swap3A_15], %rsqrt3A {strides = array<i32>} : memref<1000x1xf32, #tpu.memory_space<vmem>>, vector<1000x1xf32>,
    return
  }
  func.func @transform_0(%arg0: i32) -> (i32, i32) {
    %c0_i32 = arith.constant 0 : i32
    %c0_i32_0 = arith.constant 0 : i32
    return %arg0, %c0_i32 : i32, i32
  }
  func.func @transform_1(%arg0: i32) -> (i32, i32) {
    %c0_i32 = arith.constant 0 : i32
    %c0_i32_0 = arith.constant 0 : i32
    return %arg0, %c0_i32 : i32, i32
  }
  func.func @transform_2(%arg0: i32) -> (i32, i32) {
    %c0_i32 = arith.constant 0 : i32
    %c0_i32_0 = arith.constant 0 : i32
    return %arg0, %c0_i32 : i32, i32
  }
  func.func @transform_3(%arg0: i32) -> (i32, i32) {
    %c0_i32 = arith.constant 0 : i32
    %c0_i32_0 = arith.constant 0 : i32
    return %arg0, %c0_i32 : i32, i32
  }
  func.func @transform_4(%arg0: i32) -> (i32, i32) {
    %c0_i32 = arith.constant 0 : i32
    %c0_i32_0 = arith.constant 0 : i32
    return %arg0, %c0_i32 : i32, i32
  }
}

module attributes {stable_mosaic.version = 14 : i64} {
  func.func @_tc2_body(%arg0: i32, %arg1: memref<1x1000x64xf32, #tpu.memory_space<vmem>>, %arg2: memref<1x1000x64xf32, #tpu.memory_space<vmem>>, %arg3: memref<1000x64xf32, #tpu.memory_space<vmem>>, %arg4: memref<1000x1xf32, #tpu.memory_space<vmem>>, %arg5: memref<1x64xf32, #tpu.memory_space<vmem>>, %arg6: memref<64x64xf32, #tpu.memory_space<vmem>>, %arg7: memref<1000x64xf32, #tpu.memory_space<vmem>>) attributes {dimension_semantics = [#tpu.dimension_semantics<arbitrary>], iteration_bounds = array<i64: 10>, scalar_prefetch = 0 : i64, scratch_operands = 0 : i64, tpu.core_type = #tpu.core_type<tc>, window_params = [{transform_indices = @transform_0, window_bounds = array<i64: 1, 1000, 64>}, {transform_indices = @transform_1, window_bounds = array<i64: 1, 1000, 64>}, {transform_indices = @transform_2, window_bounds = array<i64: 1000, 64>}, {transform_indices = @transform_3, window_bounds = array<i64: 1000, 1>}, {pipeline_mode = #tpu.pipeline_mode<synchronous>, transform_indices = @transform_4, window_bounds = array<i64: 1, 64>}, {pipeline_mode = #tpu.pipeline_mode<synchronous>, transform_indices = @transform_5, window_bounds = array<i64: 64, 64>}, {transform_indices = @transform_6, window_bounds = array<i64: 1000, 64>}]} {
    %get3A = arith.constant 0 : index
    %get3A_0 = arith.constant 0 : index
    %get3A_1 = vector.load %arg4[%get3A, %get3A_0] : memref<1000x1xf32, #tpu.memory_space<vmem>>, vector<1000x1xf32>
    %get3A_2 = arith.constant 0 : index
    %get3A_3 = arith.constant 0 : index
    %get3A_4 = arith.constant 0 : index
    %get3A_5 = vector.load %arg1[%get3A_2, %get3A_3, %get3A_4] : memref<1x1000x64xf32, #tpu.memory_space<vmem>>, vector<1x1000x64xf32>
    %get3A_6 = vector.shape_cast %get3A_5 : vector<1x1000x64xf32> to vector<1000x64xf32>
    %get3A_7 = arith.constant 0 : index
    %get3A_8 = arith.constant 0 : index
    %get3A_9 = arith.constant 0 : index
    %get3A_10 = vector.load %arg2[%get3A_7, %get3A_8, %get3A_9] : memref<1x1000x64xf32, #tpu.memory_space<vmem>>, vector<1x1000x64xf32>
    %get3A_11 = vector.shape_cast %get3A_10 : vector<1x1000x64xf32> to vector<1000x64xf32>
    %add3A = arith.addf %get3A_6, %get3A_11 : vector<1000x64xf32>
    %get3A_12 = arith.constant 0 : index
    %get3A_13 = arith.constant 0 : index
    %get3A_14 = vector.load %arg3[%get3A_12, %get3A_13] : memref<1000x64xf32, #tpu.memory_space<vmem>>, vector<1000x64xf32>
    %sub3A = arith.subf %add3A, %get3A_14 : vector<1000x64xf32>
    %mul3A = vector.broadcast %get3A_1 : vector<1000x1xf32> to vector<1000x64xf32>
    %mul3A_15 = arith.mulf %sub3A, %mul3A : vector<1000x64xf32>
    %get3A_16 = arith.constant 0 : index
    %get3A_17 = arith.constant 0 : index
    %get3A_18 = vector.load %arg5[%get3A_16, %get3A_17] : memref<1x64xf32, #tpu.memory_space<vmem>>, vector<1x64xf32>
    %add3A_19 = vector.broadcast %get3A_18 : vector<1x64xf32> to vector<1000x64xf32>
    %add3A_20 = arith.addf %mul3A_15, %add3A_19 : vector<1000x64xf32>
    %max3A = arith.constant 0.000000e+00 : f32
    %max3A_21 = vector.broadcast %max3A : f32 to vector<1000x64xf32>
    %max3A_22 = arith.maximumf %add3A_20, %max3A_21 : vector<1000x64xf32>
    %get3A_23 = arith.constant 0 : index
    %get3A_24 = arith.constant 0 : index
    %get3A_25 = vector.load %arg6[%get3A_23, %get3A_24] : memref<64x64xf32, #tpu.memory_space<vmem>>, vector<64x64xf32>
    %dot_general3A = arith.constant dense<0.000000e+00> : vector<1000x64xf32>
    %dot_general3A_26 = tpu.matmul %max3A_22, %get3A_25, %dot_general3A {dimension_numbers = #tpu.dot_dimension_numbers<[1], [0], [0], [1], [0, 0, 1, 1], [], []>, transpose_lhs_hint = false} : vector<1000x64xf32>, vector<64x64xf32>, vector<1000x64xf32> -> vector<1000x64xf32>
    %mul3A_27 = vector.broadcast %get3A_1 : vector<1000x1xf32> to vector<1000x64xf32>
    %mul3A_28 = arith.mulf %dot_general3A_26, %mul3A_27 : vector<1000x64xf32>
    %swap3A = arith.constant 0 : index
    %swap3A_29 = arith.constant 0 : index
    %swap3A_30 = vector.load %arg7[%swap3A, %swap3A_29] : memref<1000x64xf32, #tpu.memory_space<vmem>>, vector<1000x64xf32>
    tpu.vector_store %arg7[%swap3A, %swap3A_29], %mul3A_28 {strides = array<i32>} : memref<1000x64xf32, #tpu.memory_space<vmem>>, vector<1000x64xf32>,
    return
  }
  func.func @transform_0(%arg0: i32) -> (i32, i32, i32) {
    %c0_i32 = arith.constant 0 : i32
    %c0_i32_0 = arith.constant 0 : i32
    %c0_i32_1 = arith.constant 0 : i32
    return %c0_i32, %arg0, %c0_i32_0 : i32, i32, i32
  }
  func.func @transform_1(%arg0: i32) -> (i32, i32, i32) {
    %c1_i32 = arith.constant 1 : i32
    %c0_i32 = arith.constant 0 : i32
    %c0_i32_0 = arith.constant 0 : i32
    return %c1_i32, %arg0, %c0_i32 : i32, i32, i32
  }
  func.func @transform_2(%arg0: i32) -> (i32, i32) {
    %c0_i32 = arith.constant 0 : i32
    %c0_i32_0 = arith.constant 0 : i32
    return %arg0, %c0_i32 : i32, i32
  }
  func.func @transform_3(%arg0: i32) -> (i32, i32) {
    %c0_i32 = arith.constant 0 : i32
    %c0_i32_0 = arith.constant 0 : i32
    return %arg0, %c0_i32 : i32, i32
  }
  func.func @transform_4(%arg0: i32) -> (i32, i32) {
    %c0_i32 = arith.constant 0 : i32
    %c0_i32_0 = arith.constant 0 : i32
    %c0_i32_1 = arith.constant 0 : i32
    return %c0_i32, %c0_i32_0 : i32, i32
  }
  func.func @transform_5(%arg0: i32) -> (i32, i32) {
    %c0_i32 = arith.constant 0 : i32
    %c0_i32_0 = arith.constant 0 : i32
    %c0_i32_1 = arith.constant 0 : i32
    return %c0_i32, %c0_i32_0 : i32, i32
  }
  func.func @transform_6(%arg0: i32) -> (i32, i32) {
    %c0_i32 = arith.constant 0 : i32
    %c0_i32_0 = arith.constant 0 : i32
    return %arg0, %c0_i32 : i32, i32
  }
}

module attributes {stable_mosaic.version = 14 : i64} {
  func.func @_tc3_body(%arg0: i32, %arg1: memref<1x1000x64xf32, #tpu.memory_space<vmem>>, %arg2: memref<1x1000x64xf32, #tpu.memory_space<vmem>>, %arg3: memref<1000x64xf32, #tpu.memory_space<vmem>>, %arg4: memref<1000x1xf32, #tpu.memory_space<vmem>>, %arg5: memref<1x64xf32, #tpu.memory_space<vmem>>, %arg6: memref<1x1x1000xi32, #tpu.memory_space<vmem>>, %arg7: memref<20x64xf32, #tpu.memory_space<vmem>>, %arg8: memref<24x64xf32, #tpu.memory_space<vmem>>) attributes {dimension_semantics = [#tpu.dimension_semantics<arbitrary>], iteration_bounds = array<i64: 10>, scalar_prefetch = 0 : i64, scratch_operands = 1 : i64, tpu.core_type = #tpu.core_type<tc>, window_params = [{transform_indices = @transform_0, window_bounds = array<i64: 1, 1000, 64>}, {transform_indices = @transform_1, window_bounds = array<i64: 1, 1000, 64>}, {transform_indices = @transform_2, window_bounds = array<i64: 1000, 64>}, {transform_indices = @transform_3, window_bounds = array<i64: 1000, 1>}, {pipeline_mode = #tpu.pipeline_mode<synchronous>, transform_indices = @transform_4, window_bounds = array<i64: 1, 64>}, {transform_indices = @transform_5, window_bounds = array<i64: 1, 1, 1000>}, {pipeline_mode = #tpu.pipeline_mode<synchronous>, transform_indices = @transform_6, window_bounds = array<i64: 20, 64>}]} {
    %get3A = arith.constant 0 : index
    %get3A_0 = arith.constant 0 : index
    %get3A_1 = arith.constant 0 : index
    %get3A_2 = vector.load %arg1[%get3A, %get3A_0, %get3A_1] : memref<1x1000x64xf32, #tpu.memory_space<vmem>>, vector<1x1000x64xf32>
    %get3A_3 = vector.shape_cast %get3A_2 : vector<1x1000x64xf32> to vector<1000x64xf32>
    %get3A_4 = arith.constant 0 : index
    %get3A_5 = arith.constant 0 : index
    %get3A_6 = arith.constant 0 : index
    %get3A_7 = vector.load %arg2[%get3A_4, %get3A_5, %get3A_6] : memref<1x1000x64xf32, #tpu.memory_space<vmem>>, vector<1x1000x64xf32>
    %get3A_8 = vector.shape_cast %get3A_7 : vector<1x1000x64xf32> to vector<1000x64xf32>
    %add3A = arith.addf %get3A_3, %get3A_8 : vector<1000x64xf32>
    %get3A_9 = arith.constant 0 : index
    %get3A_10 = arith.constant 0 : index
    %get3A_11 = vector.load %arg3[%get3A_9, %get3A_10] : memref<1000x64xf32, #tpu.memory_space<vmem>>, vector<1000x64xf32>
    %sub3A = arith.subf %add3A, %get3A_11 : vector<1000x64xf32>
    %get3A_12 = arith.constant 0 : index
    %get3A_13 = arith.constant 0 : index
    %get3A_14 = vector.load %arg4[%get3A_12, %get3A_13] : memref<1000x1xf32, #tpu.memory_space<vmem>>, vector<1000x1xf32>
    %mul3A = vector.broadcast %get3A_14 : vector<1000x1xf32> to vector<1000x64xf32>
    %mul3A_15 = arith.mulf %sub3A, %mul3A : vector<1000x64xf32>
    %get3A_16 = arith.constant 0 : index
    %get3A_17 = arith.constant 0 : index
    %get3A_18 = vector.load %arg5[%get3A_16, %get3A_17] : memref<1x64xf32, #tpu.memory_space<vmem>>, vector<1x64xf32>
    %add3A_19 = vector.broadcast %get3A_18 : vector<1x64xf32> to vector<1000x64xf32>
    %add3A_20 = arith.addf %mul3A_15, %add3A_19 : vector<1000x64xf32>
    %max3A = arith.constant 0.000000e+00 : f32
    %max3A_21 = vector.broadcast %max3A : f32 to vector<1000x64xf32>
    %max3A_22 = arith.maximumf %add3A_20, %max3A_21 : vector<1000x64xf32>
    %get3A_23 = arith.constant 0 : index
    %get3A_24 = arith.constant 0 : index
    %get3A_25 = arith.constant 0 : index
    %get3A_26 = vector.load %arg6[%get3A_23, %get3A_24, %get3A_25] : memref<1x1x1000xi32, #tpu.memory_space<vmem>>, vector<1x1x1000xi32>
    %get3A_27 = vector.shape_cast %get3A_26 : vector<1x1x1000xi32> to vector<1x1000xi32>
    %iota3A = tpu.iota {dimensions = array<i32: 0>} : vector<24x1000xi32>
    %eq3A = vector.broadcast %get3A_27 : vector<1x1000xi32> to vector<24x1000xi32>
    %eq3A_28 = arith.cmpi eq, %iota3A, %eq3A : vector<24x1000xi32>
    %convert_element_type3A = arith.extui %eq3A_28 : vector<24x1000xi1> to vector<24x1000xi32>
    %convert_element_type3A_29 = arith.sitofp %convert_element_type3A : vector<24x1000xi32> to vector<24x1000xf32>
    %dot_general3A = arith.constant dense<0.000000e+00> : vector<24x64xf32>
    %dot_general3A_30 = tpu.matmul %convert_element_type3A_29, %max3A_22, %dot_general3A {dimension_numbers = #tpu.dot_dimension_numbers<[1], [0], [0], [1], [0, 0, 1, 1], [], []>, transpose_lhs_hint = false} : vector<24x1000xf32>, vector<1000x64xf32>, vector<24x64xf32> -> vector<24x64xf32>
    %eq3A_31 = arith.constant 0 : i32
    %eq3A_32 = arith.cmpi eq, %arg0, %eq3A_31 : i32
    %convert_element_type3A_33 = arith.extui %eq3A_32 : i1 to i32
    %cond3A = arith.constant 0 : i32
    %cond3A_34 = arith.cmpi ne, %convert_element_type3A_33, %cond3A : i32
    scf.if %cond3A_34 {
      %swap3A = arith.constant 0 : index
      %swap3A_44 = arith.constant 0 : index
      %swap3A_45 = vector.load %arg8[%swap3A, %swap3A_44] : memref<24x64xf32, #tpu.memory_space<vmem>>, vector<24x64xf32>
      tpu.vector_store %arg8[%swap3A, %swap3A_44], %dot_general3A_30 {strides = array<i32>} : memref<24x64xf32, #tpu.memory_space<vmem>>, vector<24x64xf32>,
    } else {
    }
    %gt3A = arith.constant 0 : i32
    %gt3A_35 = arith.cmpi sgt, %arg0, %gt3A : i32
    %convert_element_type3A_36 = arith.extui %gt3A_35 : i1 to i32
    %cond3A_37 = arith.constant 0 : i32
    %cond3A_38 = arith.cmpi ne, %convert_element_type3A_36, %cond3A_37 : i32
    scf.if %cond3A_38 {
      %get3A_44 = arith.constant 0 : index
      %get3A_45 = arith.constant 0 : index
      %get3A_46 = vector.load %arg8[%get3A_44, %get3A_45] : memref<24x64xf32, #tpu.memory_space<vmem>>, vector<24x64xf32>
      %add3A_47 = arith.addf %get3A_46, %dot_general3A_30 : vector<24x64xf32>
      %swap3A = arith.constant 0 : index
      %swap3A_48 = arith.constant 0 : index
      %swap3A_49 = vector.load %arg8[%swap3A, %swap3A_48] : memref<24x64xf32, #tpu.memory_space<vmem>>, vector<24x64xf32>
      tpu.vector_store %arg8[%swap3A, %swap3A_48], %add3A_47 {strides = array<i32>} : memref<24x64xf32, #tpu.memory_space<vmem>>, vector<24x64xf32>,
    } else {
    }
    %eq3A_39 = arith.constant 9 : i32
    %eq3A_40 = arith.cmpi eq, %arg0, %eq3A_39 : i32
    %convert_element_type3A_41 = arith.extui %eq3A_40 : i1 to i32
    %cond3A_42 = arith.constant 0 : i32
    %cond3A_43 = arith.cmpi ne, %convert_element_type3A_41, %cond3A_42 : i32
    scf.if %cond3A_43 {
      %get3A_44 = arith.constant 0 : index
      %get3A_45 = arith.constant 0 : index
      %get3A_46 = vector.load %arg8[%get3A_44, %get3A_45] : memref<24x64xf32, #tpu.memory_space<vmem>>, vector<20x64xf32>
      %mul3A_47 = arith.constant 4.000000e-02 : f32
      %mul3A_48 = vector.broadcast %mul3A_47 : f32 to vector<20x64xf32>
      %mul3A_49 = arith.mulf %get3A_46, %mul3A_48 : vector<20x64xf32>
      %swap3A = arith.constant 0 : index
      %swap3A_50 = arith.constant 0 : index
      %swap3A_51 = vector.load %arg7[%swap3A, %swap3A_50] : memref<20x64xf32, #tpu.memory_space<vmem>>, vector<20x64xf32>
      tpu.vector_store %arg7[%swap3A, %swap3A_50], %mul3A_49 {strides = array<i32>} : memref<20x64xf32, #tpu.memory_space<vmem>>, vector<20x64xf32>,
    } else {
    }
    return
  }
  func.func @transform_0(%arg0: i32) -> (i32, i32, i32) {
    %c0_i32 = arith.constant 0 : i32
    %c0_i32_0 = arith.constant 0 : i32
    %c0_i32_1 = arith.constant 0 : i32
    return %c0_i32, %arg0, %c0_i32_0 : i32, i32, i32
  }
  func.func @transform_1(%arg0: i32) -> (i32, i32, i32) {
    %c1_i32 = arith.constant 1 : i32
    %c0_i32 = arith.constant 0 : i32
    %c0_i32_0 = arith.constant 0 : i32
    return %c1_i32, %arg0, %c0_i32 : i32, i32, i32
  }
  func.func @transform_2(%arg0: i32) -> (i32, i32) {
    %c0_i32 = arith.constant 0 : i32
    %c0_i32_0 = arith.constant 0 : i32
    return %arg0, %c0_i32 : i32, i32
  }
  func.func @transform_3(%arg0: i32) -> (i32, i32) {
    %c0_i32 = arith.constant 0 : i32
    %c0_i32_0 = arith.constant 0 : i32
    return %arg0, %c0_i32 : i32, i32
  }
  func.func @transform_4(%arg0: i32) -> (i32, i32) {
    %c0_i32 = arith.constant 0 : i32
    %c0_i32_0 = arith.constant 0 : i32
    %c0_i32_1 = arith.constant 0 : i32
    return %c0_i32, %c0_i32_0 : i32, i32
  }
  func.func @transform_5(%arg0: i32) -> (i32, i32, i32) {
    %c0_i32 = arith.constant 0 : i32
    %c0_i32_0 = arith.constant 0 : i32
    %c0_i32_1 = arith.constant 0 : i32
    return %arg0, %c0_i32, %c0_i32_0 : i32, i32, i32
  }
  func.func @transform_6(%arg0: i32) -> (i32, i32) {
    %c0_i32 = arith.constant 0 : i32
    %c0_i32_0 = arith.constant 0 : i32
    %c0_i32_1 = arith.constant 0 : i32
    return %c0_i32, %c0_i32_0 : i32, i32
  }
}

</mosaic_0001>

<sc_bundles>
// kernel: kernel.12.cloned.1.call-start
scs
__scs_entry_jumppad:
0x0: {  	(pc) =	sbr.rel $0x88, $3  }
0x1: {  	(tag) =	ssettag $0x0;
	lr =	simm.s32 $0x1  }
0x2: {  	[smem:$0x3F9A] =	sst lr;
	_ =	strace $0xD0000000  }
0x3: {  	_ = 	snop  }
0x4: {  	_ = 	snop  }
0x5: {  	_ = 	snop  }
0x6: {  	_ = 	snop  }
0x7: {  	_ = 	snop  }
__scs_overlays_trampoline_lowered:
0x8: {  	[smem:$0x3FA9] =	sst s0  }
0x9: {  	[smem:$0x3FAA] =	sst s1  }
0xa: {  	[smem:$0x3FAB] =	sst s2  }
0xb: {  	[smem:$0x3FAC] =	sst s3  }
0xc: {  	[smem:$0x3FAD] =	sst s4  }
0xd: {  	[smem:$0x3FAE] =	sst s5  }
0xe: {  	[smem:$0x3FAF] =	sst s6  }
0xf: {  	[smem:$0x3FB0] =	sst s7  }
0x10: {  	[smem:$0x3FB1] =	sst s8  }
0x11: {  	[smem:$0x3FB2] =	sst s9;
	s0 =	simm.s32 @!p0 $0x0  }
0x12: {  	s1 =	sld [smem:$0x3F98];
	s0 =	simm.s32 @p0 $0x1  }
0x13: {  	[smem:$0x3FB3] =	sst s0;
	s0 =	simm.s32 @!p1 $0x0  }
0x14: {  	s2 =	sld [smem:$0x3F97];
	s0 =	simm.s32 @p1 $0x1  }
0x15: {  	[smem:$0x3FB4] =	sst s0;
	s0 =	simm.s32 @!p2 $0x0  }
0x16: {  	s3 =	sld [smem:$0x3FDB];
	s0 =	simm.s32 @p2 $0x1  }
0x17: {  	s4 =	simm.s32 $0x1BF5;
	[smem:$0x3FB6] =	sst s0  }
0x18: {  	s0 =	sld [smem:$0x3F99];
	_ =	swait.ge [sflag:s4], $0x0  }
0x19: {  	s7 =	sld [smem:$0x3F9A]  }
0x1a: {  	s8 =	sadd.s32 $0xFFFFE003, lr  }
0x1b: {  	s9 =	sadd.s32 $0xFFFFFEF7, lr;
	s5 =	simm.s32 $0xFFFFFFFF;
	p2 =	slt.u32 s8, $0xFFFFF086  }
0x1c: {  	p1 =	slt.u32 s9, $0xF7A;
	s5 =	simm.s32 @!p2 $0x0  }
0x1d: {  	s5 =	simm.s32 @p1 $0x1;
	p0 =	seq.s32 s7, s2  }
0x1e: {  	s7 =	smul.u32 @!p0 $0xF7A, s2;
	p2 =	seq.s32 @!p0 s5, $0x0  }
0x1f: {  	s9 =	smul.u32 $0xF7A, s1;
	s8 =	simm.s32 @!p0 $0x1BF5;
	p2 =	por !p2, p0  }
0x20: {  	[sflag:s8] =	ssyncset.s32 @!p0 $0xFFFFF086;
	s6 =	sadd.s32 @!p0 s3, s7;
	s7 =	simm.s32 @!p0 $0x108  }
0x21: {  	s3 =	sadd.s32 s3, s9;
	s6 =	sadd.s32 @!p0 $0x88, s6;
	s7 =	simm.s32 @p2 $0x1082  }
0x22: {  	[simem:s7], [sflag:s8] =	dma.local @!p0 [hbm:s6], $0xF7A  }
0x23: {  	s9 =	sor.u32 $0xD0000000, s2;
	s6 =	simm.s32 $0x108;
	_ =	swait.ge @!p0 [sflag:s8], $0x0  }
0x24: {  	s3 =	sadd.s32 $0x88, s3;
	s6 =	simm.s32 @!p1 $0x1082;
	[sflag:s4] =	ssyncset.s32 $0xFFFFF086  }
0x25: {  	[simem:s6], [sflag:s4] =	dma.local [hbm:s3], $0xF7A  }
0x26: {  	[smem:$0x3F9A] =	sst s1;
	(tag) =	ssettag s2;
	_ =	strace s9  }
0x27: {  	s1 =	sld [smem:$0x3FAA]  }
0x28: {  	s2 =	sld [smem:$0x3FAB]  }
0x29: {  	s4 =	sld [smem:$0x3FAD]  }
0x2a: {  	p0 =	seq.s32 s5, $0x0;
	s5 =	sld [smem:$0x3FAE]  }
0x2b: {  	s6 =	sld [smem:$0x3FAF]  }
0x2c: {  	s7 =	sld [smem:$0x3FB0]  }
0x2d: {  	s3 =	simm.s32 $0x108;
	s8 =	sld [smem:$0x3FB1]  }
0x2e: {  	s3 =	simm.s32 @!p0 $0x1082;
	s9 =	sld [smem:$0x3FB2]  }
0x2f: {  	lr =	sadd.s32 s0, s3;
	s0 =	sld [smem:$0x3FA9]  }
0x30: {  	s3 =	sld [smem:$0x3FAC]  }
0x31: {  	[smem:$0x3FB5] =	sst s10  }
0x32: {  	s10 =	sld [smem:$0x3FB3];
	_ =	sdelay $0x3  }
0x33: {  	p0 =	seq.s32 s10, $0x1;
	s10 =	sld [smem:$0x3FB5];
	_ =	sdelay $0x3  }
0x34: {  	[smem:$0x3FB5] =	sst s10  }
0x35: {  	s10 =	sld [smem:$0x3FB4];
	_ =	sdelay $0x3  }
0x36: {  	p1 =	seq.s32 s10, $0x1;
	s10 =	sld [smem:$0x3FB5];
	_ =	sdelay $0x3  }
0x37: {  	[smem:$0x3FB5] =	sst s10  }
0x38: {  	s10 =	sld [smem:$0x3FB6]  }
0x39: {  	_ = 	snop;
	(pc) =	sbr.ind lr, $3  }
0x3a: {  	_ = 	snop  }
0x3b: {  	_ = 	snop  }
0x3c: {  	p2 =	seq.s32 s10, $0x1;
	s10 =	sld [smem:$0x3FB5]  }
0x3d: {  	_ =	shalt  }
0x3e: {  	_ =	shalt  }
0x3f: {  	_ =	shalt  }
0x40: {  	_ =	shalt  }
0x41: {  	_ =	shalt  }
0x42: {  	_ =	shalt  }
0x43: {  	_ =	shalt  }
0x44: {  	_ =	shalt  }
0x45: {  	_ =	shalt  }
0x46: {  	_ =	shalt  }
0x47: {  	_ =	shalt  }
0x48: {  	_ =	shalt  }
0x49: {  	_ =	shalt  }
0x4a: {  	_ =	shalt  }
0x4b: {  	_ =	shalt  }
0x4c: {  	_ =	shalt  }
0x4d: {  	_ =	shalt  }
0x4e: {  	_ =	shalt  }
0x4f: {  	_ =	shalt  }
0x50: {  	_ =	shalt  }
0x51: {  	_ =	shalt  }
0x52: {  	_ =	shalt  }
0x53: {  	_ =	shalt  }
0x54: {  	_ =	shalt  }
0x55: {  	_ =	shalt  }
0x56: {  	_ =	shalt  }
0x57: {  	_ =	shalt  }
0x58: {  	_ =	shalt  }
0x59: {  	_ =	shalt  }
0x5a: {  	_ =	shalt  }
0x5b: {  	_ =	shalt  }
0x5c: {  	_ =	shalt  }
0x5d: {  	_ =	shalt  }
0x5e: {  	_ =	shalt  }
0x5f: {  	_ =	shalt  }
0x60: {  	_ =	shalt  }
0x61: {  	_ =	shalt  }
0x62: {  	_ =	shalt  }
0x63: {  	_ =	shalt  }
0x64: {  	_ =	shalt  }
0x65: {  	_ =	shalt  }
0x66: {  	_ =	shalt  }
0x67: {  	_ =	shalt  }
0x68: {  	_ =	shalt  }
0x69: {  	_ =	shalt  }
0x6a: {  	_ =	shalt  }
0x6b: {  	_ =	shalt  }
0x6c: {  	_ =	shalt  }
0x6d: {  	_ =	shalt  }
0x6e: {  	_ =	shalt  }
0x6f: {  	_ =	shalt  }
0x70: {  	_ =	shalt  }
0x71: {  	_ =	shalt  }
0x72: {  	_ =	shalt  }
0x73: {  	_ =	shalt  }
0x74: {  	_ =	shalt  }
0x75: {  	_ =	shalt  }
0x76: {  	_ =	shalt  }
0x77: {  	_ =	shalt  }
0x78: {  	_ =	shalt  }
0x79: {  	_ =	shalt  }
0x7a: {  	_ =	shalt  }
0x7b: {  	_ =	shalt  }
0x7c: {  	_ =	shalt  }
0x7d: {  	_ =	shalt  }
0x7e: {  	_ =	shalt  }
0x7f: {  	_ =	shalt  }
0x80: {  	_ =	shalt  }
0x81: {  	_ =	shalt  }
0x82: {  	_ =	shalt  }
0x83: {  	_ =	shalt  }
0x84: {  	_ =	shalt  }
0x85: {  	_ =	shalt  }
0x86: {  	_ =	shalt  }
0x87: {  	_ =	shalt  }
.Lfunc_end0:
.L_simem_size_0:
called_computation.1_lowered:
.L_overlay_start_0:
0x88: {  	s2 =	sld [smem:$0x3FD9]  }
0x89: {  	s3 =	sld [smem:$0x3FFE];
	_ =	sdelay $0x1  }
0x8a: {  	s1 =	srdreg.scid  }
0x8b: {  	s0 =	sand.u32 $0x1, s1  }
0x8c: {  	s16 =	sshll.u32 s0, $0xA;
	s2 =	sadd.s32 s3, s2  }
0x8d: {  	s2 =	sadd.s32 s2, s16  }
0x8e: {  	[smem:$0x3FC1] =	sst s2  }
0x8f: {  	_ = 	snop  }
0x90: {  	(tm) =	ssettm $0x1  }
0x91: {  	s17 =	sld [smem:$0x3FFB];
	_ =	sdelay $0x3  }
0x92: {  	_ =	strace s17  }
0x93: {  	s2 =	sld [smem:$0x3FFC];
	_ =	sdelay $0x3  }
0x94: {  	_ =	strace s2  }
0x95: {  	s2 =	sld [smem:$0x3FFD];
	_ =	sdelay $0x3  }
0x96: {  	_ =	strace s2  }
0x97: {  	_ =	strace $0x8FFFFFFF  }
0x98: {  	s18 =	sld [smem:$0x3FDB];
	_ =	sdelay $0x1  }
0x99: {  	s19 =	simm.s32 $_scs_section_size  }
0x9a: {  	s4 =	simm.s32 $_size__tile_overlayer_lowered;
	s5 =	simm.s32 $_tile_overlayer_lowered  }
0x9b: {  	s22 =	simm.s32 $0x1BFF;
	s21 =	sshll.u32 s5, $0x1;
	s2 =	sadd.s32 s19, s18  }
0x9c: {  	s6 =	simm.s32 $0x0;
	s20 =	sshll.u32 s4, $0x1;
	s4 =	sadd.s32 s21, s2  }
0x9d: {  	[timem:s6], [sflag:s22] =	dma.local [hbm:s4], s20  }
0x9e: {  	_ =	swait.ge [sflag:s22], s20  }
0x9f: {  	s3 =	ssub.s32 $0x0, s20;
	[sflag:s22] =	ssyncset.done $0x0  }
0xa0: {  	[sflag:s22] =	ssyncadd.s32 s3;
	_ =	sdelay $0x1  }
0xa1: {  	s23 =	simm.s32 $0x1B8B  }
0xa2: {  	_ =	swait.ge [sflag:s23], $0x1  }
0xa3: {  	[sflag:s23] =	ssyncset.done $0x0  }
0xa4: {  	s25 =	simm.s32 $0x1B8E;
	s24 =	sld [smem:$0x3FFE];
	[sflag:s23] =	ssyncadd.s32 $0xFFFFFFFF  }
0xa5: {  	s26 =	simm.s32 $execute0_lowered;
	[smem:$0x3FD2] =	sst s25  }
0xa6: {  	s4 =	sshll.u32 s26, $0x1;
	_ =	strace $0x80000049;
	[dreg:$0x1] =	wrdreg $0xFFFFFFFF  }
0xa7: {  	s28 =	simm.s32 $_size_execute0_lowered;
	s2 =	sadd.s32 s2, s4;
	[dreg:$0x0] =	wrdreg $0x0  }
0xa8: {  	s4 =	sshll.u32 s28, $0x1;
	[dreg:$0x2] =	wrdreg s2  }
0xa9: {  	[dreg:$0x3] =	wrdreg s4  }
0xaa: {  	[dreg:$0x4] =	wrdreg $0xC0  }
0xab: {  	_ =	task [dreg:s6], $0x5FFFF  }
0xac: {  	[dreg:$0x1] =	wrdreg $0xFFFFFFFF  }
0xad: {  	[dreg:$0x0] =	wrdreg $0x60  }
0xae: {  	[dreg:$0x2] =	wrdreg s24  }
0xaf: {  	[dreg:$0x3] =	wrdreg $0x50000  }
0xb0: {  	[dreg:$0x4] =	wrdreg $0x9  }
0xb1: {  	_ =	task.clear_ibuf [dreg:s6], $0x5FFFF;
	_ =	strace $0x90000049  }
0xb2: {  	s29 =	simm.s32 $0x9;
	_ =	strace $0x8000004B  }
0xb3: {  	_ =	swait.ge [sflag:s29], $0x1  }
0xb4: {  	[sflag:s29] =	ssyncadd.s32 $0xFFFFFFFF  }
0xb5: {  	_ =	strace $0x9000004B  }
0xb6: {  	_ =	sfence  }
0xb7: {  	s30 =	sld [smem:$0x0];
	_ =	sdelay $0x2  }
0xb8: {  	s31 =	sshll.u32 s1, $0xD;
	s1 =	sshrl.u32 s1, $0x2  }
0xb9: {  	s3 =	sand.u32 $0x4000, s31;
	s1 =	sadd.s32 s1, s30  }
0xba: {  	s0 =	sor.u32 s3, s0;
	s1 =	sshll.u32 s1, $0x11  }
0xbb: {  	s0 =	sor.u32 s1, s0  }
0xbc: {  	s0 =	sadd.s32 $0x8F2B, s0  }
0xbd: {  	[sflag:s0] =	ssyncadd.remote.s32 $0x1  }
0xbe: {  	_ =	sfence.sel $0xFFFF  }
0xbf: {  	[dreg:$0x0] =	wrdreg $0xFFFFFFFF;
	(pc) =	sbr.abs _section_cstart, $3  }
0xc0: {  	[dreg:$0x1] =	wrdreg $0xFFFFFFFF  }
0xc1: {  	_ =	task.clear_ibuf [dreg:s6], $0x2FFFF;
	_ =	strace $0x9FFFFFFF  }
0xc2: {  	(tm) =	ssettm $0x7FFFFFFF  }
0xc3: {  	_ =	shalt  }
tec
execute0_lowered:
.L_overlay_start_1:
0x0: {  	(tag) =	ssettag $0x1  }
0x1: {  	s0 =	rddreg [dreg:$0x0]  }
0x2: {  	s1 =	rddreg [dreg:$0x1]  }
0x3: {  	s2 =	simm.s32 $0x0;
	s23 =	srdreg.scid;
	s8 =	stileid.u32  }
0x4: {  	s18 =	simm.s32 $0x3;
	s20 =	simm.s32 $0x32;
	s21 =	simm.s32 $0x1180  }
0x5: {  	s22 =	simm.s32 $0x38;
	s28 =	simm.s32 $0x3700;
	s29 =	simm.s32 $0x1  }
0x6: {  	s30 =	simm.s32 $0x2;
	s31 =	simm.s32 $0x0;
	[smem:$0x7FF] =	sst s2  }
0x7: {  	s4 =	sadd.s32 $0x3FC00, s0;
	s5 =	sadd.s32 $0x2C00, s0;
	s2 =	sand.u32 $0x1, s23  }
0x8: {  	s10 =	smul.u32 $0xA000, s8;
	s11 =	sadd.s32 $0x53600, s0;
	s14 =	sadd.s32 $0x96000, s1  }
0x9: {  	s0 =	sadd.s32 $0x52800, s0;
	p0 =	seq.s32 s8, $0xF;
	s23 =	simm.s32 $0x1E00  }
0xa: {  	_ =	strace $0x8000004A;
	s3 =	ssub.s32 $0x2, s2;
	s6 =	sshll.u32 s2, $0x4  }
0xb: {  	s2 =	smul.u32 $0x9C400, s2;
	[dreg:$0x4] =	wrdreg s0;
	s14 =	sshrl.u32 @p0 s14, $0x3  }
0xc: {  	s15 =	sshll.u32 @!p0 s8, $0x6;
	s7 =	sshrl.u32 s3, $0x1;
	s6 =	sor.u32 s8, s6  }
0xd: {  	s24 =	sshrl.u32 s10, $0x3;
	s17 =	sadd.s32 s10, s1;
	s16 =	sor.u32 @!p0 $0x1C01, s15  }
0xe: {  	s3 =	ssub.s32 s3, s7;
	s6 =	smul.u32 $0x2BC0, s6;
	s7 =	sadd.s32 s4, s24  }
0xf: {  	s26 =	sadd.s32 s10, s2;
	s2 =	sshrl.u32 s2, $0x3;
	s17 =	sshrl.u32 @!p0 s17, $0x3  }
0x10: {  	s24 =	simm.s32 $0x70;
	[dreg:$0x3] =	wrdreg s7;
	s0 =	sshrl.u32 s26, $0x3  }
0x11: {  	s2 =	sadd.s32 s11, s2;
	s13 =	smax.u32 s3, $0x1;
	s25 =	sshrl.u32 s6, $0x3  }
0x12: {  	s26 =	simm.s32 $0xA8;
	s11 =	sadd.s32 s11, s0;
	s9 =	sadd.s32 s5, s25  }
0x13: {  	s12 =	sadd.s32 $0x12C00, s2;
	s25 =	simm.s32 $0x2A80;
	s10 =	sadd.s32 $0xAF00, s9  }
.LBB2_1:
0x14: {  	s0 =	simm.s32 @p0 $0x1FC1;
	s2 =	rddreg [dreg:$0x4]  }
0x15: {  	[spmem:s14], [sflag:s0] =	dma.local @p0 [hbm:s2], $0xC80  }
0x16: {  	s8 =	simm.s32 $0x0;
	s0 =	rddreg [dreg:$0x3]  }
0x17: {  	[spmem:s17], [sflag:s16] =	dma.local @!p0 [hbm:s0], $0x1400  }
0x18: {  	[tilespmem:s8], [sflag:$0x3] =	stream.linear.gather [hbm4b:s9+s8], $0x8C0, $0x38;
	[tilespmem:$0xEC40] =	vst v63  }
0x19: {  	_ =	swait.ge [sflag:s18], $0x8C0  }
0x1a: {  	[sflag:s18] =	ssyncset.done $0x0  }
0x1b: {  	s19 =	simm.s32 $0x8C0;
	[sflag:s18] =	ssyncadd.s32 $0xFFFFF740  }
0x1c: {  	[tilespmem:s19], [sflag:$0x3] =	stream.linear.gather [hbm4b:s10+s8], $0x8C0, $0x38;
	[tilespmem:$0xEC40] =	vst v63  }
0x1d: {  	_ =	swait.ge [sflag:s18], $0x8C0  }
0x1e: {  	[sflag:s18] =	ssyncset.done $0x0  }
0x1f: {  	s0 =	simm.s32 @p0 $0x1;
	[sflag:s18] =	ssyncadd.s32 $0xFFFFF740  }
0x20: {  	_ =	swait.ge @p0 [sflag:s0], $0xC80  }
0x21: {  	[sflag:s0] =	ssyncset.done @p0 $0x0  }
0x22: {  	[sflag:s0] =	ssyncadd.s32 @p0 $0xFFFFF380;
	s0 =	simm.s32 @!p0 $0x1  }
0x23: {  	_ =	swait.ge @!p0 [sflag:s0], $0x1400  }
0x24: {  	[sflag:s0] =	ssyncset.done @!p0 $0x0  }
0x25: {  	[sflag:s0] =	ssyncadd.s32 @!p0 $0xFFFFEC00  }
0x26: {  	s0 =	simm.s32 $0x0;
	[bflag:$0x0] =	sbarrier.arrive $0xFFFF  }
.LBB2_2:
0x27: {  	p1 =	seq.s32 s0, $0x0  }
0x28: {  	s2 =	smul.u32 @!p1 $0x8C0, s0;
	_ =	sdelay $0x1  }
0x29: {  	s2 =	sadd.s32 @!p1 s6, s2  }
0x2a: {  	s2 =	sshrl.u32 @!p1 s2, $0x3  }
0x2b: {  	s3 =	simm.s32 @!p1 $0x0;
	s19 =	simm.s32 @!p1 $0x3;
	s2 =	sadd.s32 @!p1 s5, s2  }
0x2c: {  	[tilespmem:s3], [sflag:$0x3] =	stream.linear.gather @!p1 [hbm4b:s2+s3], $0x8C0, $0x38;
	[tilespmem:$0xEC40] =	vst v63  }
0x2d: {  	_ =	swait.ge @!p1 [sflag:s19], $0x8C0  }
0x2e: {  	[sflag:s19] =	ssyncset.done @!p1 $0x0  }
0x2f: {  	s7 =	simm.s32 @!p1 $0x8C0;
	s2 =	sadd.s32 @!p1 $0xAF00, s2;
	[sflag:s19] =	ssyncadd.s32 @!p1 $0xFFFFF740  }
0x30: {  	[tilespmem:s7], [sflag:$0x3] =	stream.linear.gather @!p1 [hbm4b:s2+s3], $0x8C0, $0x38;
	[tilespmem:$0xEC40] =	vst v63  }
0x31: {  	_ =	swait.ge @!p1 [sflag:s19], $0x8C0  }
0x32: {  	[sflag:s19] =	ssyncset.done @!p1 $0x0  }
0x33: {  	s3 =	simm.s32 $0x0;
	[sflag:s19] =	ssyncadd.s32 @!p1 $0xFFFFF740  }
0x34: {  	[tilespmem:s21], [sflag:$0x1] =	stream.indirect.gather [hbm4b:s4+s20], $0x40, s3, s20, $0xb8;
	[tilespmem:$0xEC40] =	vst v63  }
0x35: {  	_ = 	snop  }
0x36: {  	[tilespmem:s23], [sflag:$0x1] =	stream.indirect.gather [hbm4b:s4+s20], $0x40, s22, s20, $0xb8;
	[tilespmem:$0xEC40] =	vst v63  }
0x37: {  	_ = 	snop  }
0x38: {  	[tilespmem:s25], [sflag:$0x1] =	stream.indirect.gather [hbm4b:s4+s20], $0x40, s24, s20, $0xb8;
	[tilespmem:$0xEC40] =	vst v63  }
0x39: {  	s2 =	simm.s32 $0x8C0;
	s19 =	simm.s32 $0xE0  }
0x3a: {  	[tilespmem:s28], [sflag:$0x1] =	stream.indirect.gather [hbm4b:s4+s20], $0x40, s26, s20, $0xb8;
	[tilespmem:$0xEC40] =	vst v63  }
.LBB2_3:
0x3b: {  	s7 =	smul.u32 $0xCD, s3;
	_ =	sdelay $0x1  }
0x3c: {  	s7 =	sshrl.u32 s7, $0xA  }
0x3d: {  	s7 =	sand.u32 $0x3F, s7  }
0x3e: {  	s7 =	smul.u32 $0x5, s7;
	_ =	sdelay $0x1  }
0x3f: {  	s7 =	ssub.s32 s3, s7  }
0x40: {  	s7 =	sand.u32 $0xFF, s7  }
0x41: {  	s7 =	smul.u32 $0x3200, s7  }
0x42: {  	_ =	swait.ge [sflag:s29], $0xC80  }
0x43: {  	[sflag:s29] =	ssyncset.done $0x0;
	s7 =	sshrl.u32 s7, $0x2  }
0x44: {  	p1 =	seq.s32 s3, $0x0;
	[sflag:s29] =	ssyncadd.s32 $0xFFFFF380;
	s7 =	sadd.s32 $0x1180, s7  }
0x45: {  	[spmem:s1] =	stream.indirect.scatter.add.f32 [tilespmem:s7], [sflag:$0x2], $0x40, s2, s20, $0xb8;
	[tilespmem:$0xEC40] =	vst v63  }
0x46: {  	s7 =	simm.s32 @!p1 $0x2  }
0x47: {  	p2 =	sgt.u32 @!p1 s3, $0x23;
	_ =	swait.ge @!p1 [sflag:s7], $0xC80  }
0x48: {  	p2 =	por p1, !p2;
	[sflag:s7] =	ssyncset.done @!p1 $0x0  }
0x49: {  	[sflag:s7] =	ssyncadd.s32 @!p1 $0xFFFFF380;
	s7 =	sadd.s32 @p2 $0x4, s3  }
0x4a: {  	s8 =	smul.u32 @p2 $0xCD, s7;
	_ =	sdelay $0x1  }
0x4b: {  	s8 =	sshrl.u32 @p2 s8, $0xA  }
0x4c: {  	s8 =	sand.u32 @p2 $0x3F, s8  }
0x4d: {  	s8 =	smul.u32 @p2 $0x5, s8;
	_ =	sdelay $0x1  }
0x4e: {  	s7 =	ssub.s32 @p2 s7, s8  }
0x4f: {  	s3 =	sadd.s32 $0x1, s3;
	s7 =	sand.u32 @p2 $0xFF, s7  }
0x50: {  	p1 =	sne.s32 s3, $0x28;
	s7 =	smul.u32 @p2 $0x3200, s7  }
.Ltmp0:
0x51: {  	_ = 	snop;
	(pc) =	sbr.rel @p1 .LBB2_3-.Ltmp0, $4  }
0x52: {  	s7 =	sshrl.u32 @p2 s7, $0x2  }
0x53: {  	s7 =	sadd.s32 @p2 $0x1180, s7  }
0x54: {  	[tilespmem:s7], [sflag:$0x1] =	stream.indirect.gather @p2 [hbm4b:s4+s20], $0x40, s19, s20, $0xb8;
	[tilespmem:$0xEC40] =	vst v63  }
0x55: {  	s2 =	sadd.s32 $0x38, s2;
	s19 =	sadd.s32 $0x38, s19  }
0x56: {  	s0 =	sadd.s32 $0x1, s0  }
0x57: {  	p1 =	sne.s32 s0, $0x5  }
.Ltmp1:
0x58: {  	_ = 	snop;
	(pc) =	sbr.rel @p1 .LBB2_2-.Ltmp1, $4  }
0x59: {  	_ = 	snop  }
0x5a: {  	_ =	swait.ge [sflag:s30], $0xC80  }
0x5b: {  	[sflag:s30] =	ssyncset.done $0x0  }
0x5c: {  	[sflag:s30] =	ssyncadd.s32 $0xFFFFF380  }
0x5d: {  	[bflag:$0x0] =	sbarrier.arrive $0xFFFF;
	s0 =	simm.s32 @p0 $0x1FC3  }
0x5e: {  	[hbm:s12], [sflag:s0] =	dma.local @p0 [spmem:s14], $0xC80  }
0x5f: {  	s0 =	simm.s32 @p0 $0x3  }
0x60: {  	_ =	swait.ge @p0 [sflag:s0], $0xC80  }
0x61: {  	s31 =	sadd.s32 $0x1, s31;
	[sflag:s0] =	ssyncset.done @p0 $0x0  }
0x62: {  	p1 =	sne.s32 s31, s13;
	[sflag:s0] =	ssyncadd.s32 @p0 $0xFFFFF380;
	s0 =	sor.u32 @!p0 $0x1C03, s15  }
0x63: {  	[hbm:s11], [sflag:s0] =	dma.local @!p0 [spmem:s17], $0x1400  }
.Ltmp2:
0x64: {  	_ = 	snop;
	(pc) =	sbr.rel @p1 .LBB2_1-.Ltmp2, $4  }
0x65: {  	s0 =	simm.s32 @!p0 $0x3  }
0x66: {  	_ =	swait.ge @!p0 [sflag:s0], $0x1400  }
0x67: {  	[sflag:s0] =	ssyncset.done @!p0 $0x0  }
0x68: {  	[sflag:s0] =	ssyncadd.s32 @!p0 $0xFFFFEC00  }
0x69: {  	_ =	sfence.sel $0x180000  }
0x6a: {  	[bflag:$0x0] =	sbarrier.arrive $0xFFFF  }
0x6b: {  	_ =	strace $0x9000004A  }
0x6c: {  	s0 =	stileid.u32;
	[bflag:$0x2] =	sbarrier.arrive $0xFFFF  }
0x6d: {  	p0 =	sne.s32 s0, $0x0;
	s0 =	rddreg [dreg:$0x2]  }
0x6e: {  	s0 =	sadd.s32 @!p0 $0x100000, s0  }
0x6f: {  	[sflag:s0] =	ssyncadd.tile.s32 @!p0 $0x1;
	_ =	shalt  }
.Lfunc_end2:
_tile_overlayer_lowered:
.L_overlay_start_2:
0x70: {  	(tag) =	ssettag $0x2  }
0x71: {  	s0 =	rddreg [dreg:$0x0];
	s2 =	stileid.u32  }
0x72: {  	s1 =	rddreg [dreg:$0x1];
	p0 =	sne.s32 s2, $0x0  }
0x73: {  	s3 =	rddreg [dreg:$0x2];
	[bflag:$0x3] =	sbarrier.arrive $0xFFFF;
	s2 =	simm.s32 @!p0 $0x1C03  }
0x74: {  	[timem:s3], [sflag:s2] =	dma.local @!p0 [hbm:s0], s1  }
0x75: {  	s0 =	simm.s32 @!p0 $0x3  }
0x76: {  	_ =	swait.ge @!p0 [sflag:s0], s1  }
0x77: {  	s1 =	ssub.s32 @!p0 $0x0, s1;
	[sflag:s0] =	ssyncset.done @!p0 $0x0  }
0x78: {  	[sflag:s0] =	ssyncadd.s32 @!p0 s1  }
0x79: {  	[bflag:$0x3] =	sbarrier.arrive $0xFFFF  }
0x7a: {  	_ =	shalt  }

// kernel: kernel.15.cloned.1.call-start
scs
__scs_entry_jumppad:
0x0: {  	(pc) =	sbr.rel $0x88, $3  }
0x1: {  	(tag) =	ssettag $0x0;
	lr =	simm.s32 $0x1  }
0x2: {  	[smem:$0x3F9A] =	sst lr;
	_ =	strace $0xD0000000  }
0x3: {  	_ = 	snop  }
0x4: {  	_ = 	snop  }
0x5: {  	_ = 	snop  }
0x6: {  	_ = 	snop  }
0x7: {  	_ = 	snop  }
__scs_overlays_trampoline_lowered:
0x8: {  	[smem:$0x3FA9] =	sst s0  }
0x9: {  	[smem:$0x3FAA] =	sst s1  }
0xa: {  	[smem:$0x3FAB] =	sst s2  }
0xb: {  	[smem:$0x3FAC] =	sst s3  }
0xc: {  	[smem:$0x3FAD] =	sst s4  }
0xd: {  	[smem:$0x3FAE] =	sst s5  }
0xe: {  	[smem:$0x3FAF] =	sst s6  }
0xf: {  	[smem:$0x3FB0] =	sst s7  }
0x10: {  	[smem:$0x3FB1] =	sst s8  }
0x11: {  	[smem:$0x3FB2] =	sst s9;
	s0 =	simm.s32 @!p0 $0x0  }
0x12: {  	s1 =	sld [smem:$0x3F98];
	s0 =	simm.s32 @p0 $0x1  }
0x13: {  	[smem:$0x3FB3] =	sst s0;
	s0 =	simm.s32 @!p1 $0x0  }
0x14: {  	s2 =	sld [smem:$0x3F97];
	s0 =	simm.s32 @p1 $0x1  }
0x15: {  	[smem:$0x3FB4] =	sst s0;
	s0 =	simm.s32 @!p2 $0x0  }
0x16: {  	s3 =	sld [smem:$0x3FDB];
	s0 =	simm.s32 @p2 $0x1  }
0x17: {  	s4 =	simm.s32 $0x1BF5;
	[smem:$0x3FB6] =	sst s0  }
0x18: {  	s0 =	sld [smem:$0x3F99];
	_ =	swait.ge [sflag:s4], $0x0  }
0x19: {  	s7 =	sld [smem:$0x3F9A]  }
0x1a: {  	s8 =	sadd.s32 $0xFFFFE003, lr  }
0x1b: {  	s9 =	sadd.s32 $0xFFFFFEF7, lr;
	s5 =	simm.s32 $0xFFFFFFFF;
	p2 =	slt.u32 s8, $0xFFFFF086  }
0x1c: {  	p1 =	slt.u32 s9, $0xF7A;
	s5 =	simm.s32 @!p2 $0x0  }
0x1d: {  	s5 =	simm.s32 @p1 $0x1;
	p0 =	seq.s32 s7, s2  }
0x1e: {  	s7 =	smul.u32 @!p0 $0xF7A, s2;
	p2 =	seq.s32 @!p0 s5, $0x0  }
0x1f: {  	s9 =	smul.u32 $0xF7A, s1;
	s8 =	simm.s32 @!p0 $0x1BF5;
	p2 =	por !p2, p0  }
0x20: {  	[sflag:s8] =	ssyncset.s32 @!p0 $0xFFFFF086;
	s6 =	sadd.s32 @!p0 s3, s7;
	s7 =	simm.s32 @!p0 $0x108  }
0x21: {  	s3 =	sadd.s32 s3, s9;
	s6 =	sadd.s32 @!p0 $0x88, s6;
	s7 =	simm.s32 @p2 $0x1082  }
0x22: {  	[simem:s7], [sflag:s8] =	dma.local @!p0 [hbm:s6], $0xF7A  }
0x23: {  	s9 =	sor.u32 $0xD0000000, s2;
	s6 =	simm.s32 $0x108;
	_ =	swait.ge @!p0 [sflag:s8], $0x0  }
0x24: {  	s3 =	sadd.s32 $0x88, s3;
	s6 =	simm.s32 @!p1 $0x1082;
	[sflag:s4] =	ssyncset.s32 $0xFFFFF086  }
0x25: {  	[simem:s6], [sflag:s4] =	dma.local [hbm:s3], $0xF7A  }
0x26: {  	[smem:$0x3F9A] =	sst s1;
	(tag) =	ssettag s2;
	_ =	strace s9  }
0x27: {  	s1 =	sld [smem:$0x3FAA]  }
0x28: {  	s2 =	sld [smem:$0x3FAB]  }
0x29: {  	s4 =	sld [smem:$0x3FAD]  }
0x2a: {  	p0 =	seq.s32 s5, $0x0;
	s5 =	sld [smem:$0x3FAE]  }
0x2b: {  	s6 =	sld [smem:$0x3FAF]  }
0x2c: {  	s7 =	sld [smem:$0x3FB0]  }
0x2d: {  	s3 =	simm.s32 $0x108;
	s8 =	sld [smem:$0x3FB1]  }
0x2e: {  	s3 =	simm.s32 @!p0 $0x1082;
	s9 =	sld [smem:$0x3FB2]  }
0x2f: {  	lr =	sadd.s32 s0, s3;
	s0 =	sld [smem:$0x3FA9]  }
0x30: {  	s3 =	sld [smem:$0x3FAC]  }
0x31: {  	[smem:$0x3FB5] =	sst s10  }
0x32: {  	s10 =	sld [smem:$0x3FB3];
	_ =	sdelay $0x3  }
0x33: {  	p0 =	seq.s32 s10, $0x1;
	s10 =	sld [smem:$0x3FB5];
	_ =	sdelay $0x3  }
0x34: {  	[smem:$0x3FB5] =	sst s10  }
0x35: {  	s10 =	sld [smem:$0x3FB4];
	_ =	sdelay $0x3  }
0x36: {  	p1 =	seq.s32 s10, $0x1;
	s10 =	sld [smem:$0x3FB5];
	_ =	sdelay $0x3  }
0x37: {  	[smem:$0x3FB5] =	sst s10  }
0x38: {  	s10 =	sld [smem:$0x3FB6]  }
0x39: {  	_ = 	snop;
	(pc) =	sbr.ind lr, $3  }
0x3a: {  	_ = 	snop  }
0x3b: {  	_ = 	snop  }
0x3c: {  	p2 =	seq.s32 s10, $0x1;
	s10 =	sld [smem:$0x3FB5]  }
0x3d: {  	_ =	shalt  }
0x3e: {  	_ =	shalt  }
0x3f: {  	_ =	shalt  }
0x40: {  	_ =	shalt  }
0x41: {  	_ =	shalt  }
0x42: {  	_ =	shalt  }
0x43: {  	_ =	shalt  }
0x44: {  	_ =	shalt  }
0x45: {  	_ =	shalt  }
0x46: {  	_ =	shalt  }
0x47: {  	_ =	shalt  }
0x48: {  	_ =	shalt  }
0x49: {  	_ =	shalt  }
0x4a: {  	_ =	shalt  }
0x4b: {  	_ =	shalt  }
0x4c: {  	_ =	shalt  }
0x4d: {  	_ =	shalt  }
0x4e: {  	_ =	shalt  }
0x4f: {  	_ =	shalt  }
0x50: {  	_ =	shalt  }
0x51: {  	_ =	shalt  }
0x52: {  	_ =	shalt  }
0x53: {  	_ =	shalt  }
0x54: {  	_ =	shalt  }
0x55: {  	_ =	shalt  }
0x56: {  	_ =	shalt  }
0x57: {  	_ =	shalt  }
0x58: {  	_ =	shalt  }
0x59: {  	_ =	shalt  }
0x5a: {  	_ =	shalt  }
0x5b: {  	_ =	shalt  }
0x5c: {  	_ =	shalt  }
0x5d: {  	_ =	shalt  }
0x5e: {  	_ =	shalt  }
0x5f: {  	_ =	shalt  }
0x60: {  	_ =	shalt  }
0x61: {  	_ =	shalt  }
0x62: {  	_ =	shalt  }
0x63: {  	_ =	shalt  }
0x64: {  	_ =	shalt  }
0x65: {  	_ =	shalt  }
0x66: {  	_ =	shalt  }
0x67: {  	_ =	shalt  }
0x68: {  	_ =	shalt  }
0x69: {  	_ =	shalt  }
0x6a: {  	_ =	shalt  }
0x6b: {  	_ =	shalt  }
0x6c: {  	_ =	shalt  }
0x6d: {  	_ =	shalt  }
0x6e: {  	_ =	shalt  }
0x6f: {  	_ =	shalt  }
0x70: {  	_ =	shalt  }
0x71: {  	_ =	shalt  }
0x72: {  	_ =	shalt  }
0x73: {  	_ =	shalt  }
0x74: {  	_ =	shalt  }
0x75: {  	_ =	shalt  }
0x76: {  	_ =	shalt  }
0x77: {  	_ =	shalt  }
0x78: {  	_ =	shalt  }
0x79: {  	_ =	shalt  }
0x7a: {  	_ =	shalt  }
0x7b: {  	_ =	shalt  }
0x7c: {  	_ =	shalt  }
0x7d: {  	_ =	shalt  }
0x7e: {  	_ =	shalt  }
0x7f: {  	_ =	shalt  }
0x80: {  	_ =	shalt  }
0x81: {  	_ =	shalt  }
0x82: {  	_ =	shalt  }
0x83: {  	_ =	shalt  }
0x84: {  	_ =	shalt  }
0x85: {  	_ =	shalt  }
0x86: {  	_ =	shalt  }
0x87: {  	_ =	shalt  }
.Lfunc_end0:
.L_simem_size_0:
called_computation.2_lowered:
.L_overlay_start_0:
0x88: {  	s2 =	sld [smem:$0x3FD9]  }
0x89: {  	s3 =	sld [smem:$0x3FFE];
	_ =	sdelay $0x1  }
0x8a: {  	s1 =	srdreg.scid  }
0x8b: {  	s0 =	sand.u32 $0x1, s1  }
0x8c: {  	s16 =	sshll.u32 s0, $0xA;
	s2 =	sadd.s32 s3, s2  }
0x8d: {  	s2 =	sadd.s32 s2, s16  }
0x8e: {  	[smem:$0x3FC1] =	sst s2  }
0x8f: {  	_ = 	snop  }
0x90: {  	(tm) =	ssettm $0x1  }
0x91: {  	s17 =	sld [smem:$0x3FFB];
	_ =	sdelay $0x3  }
0x92: {  	_ =	strace s17  }
0x93: {  	s2 =	sld [smem:$0x3FFC];
	_ =	sdelay $0x3  }
0x94: {  	_ =	strace s2  }
0x95: {  	s2 =	sld [smem:$0x3FFD];
	_ =	sdelay $0x3  }
0x96: {  	_ =	strace s2  }
0x97: {  	_ =	strace $0x8FFFFFFF  }
0x98: {  	s18 =	sld [smem:$0x3FDB];
	_ =	sdelay $0x1  }
0x99: {  	s19 =	simm.s32 $_scs_section_size  }
0x9a: {  	s4 =	simm.s32 $_size__tile_overlayer_lowered;
	s5 =	simm.s32 $_tile_overlayer_lowered  }
0x9b: {  	s22 =	simm.s32 $0x1BFF;
	s21 =	sshll.u32 s5, $0x1;
	s2 =	sadd.s32 s19, s18  }
0x9c: {  	s6 =	simm.s32 $0x0;
	s20 =	sshll.u32 s4, $0x1;
	s4 =	sadd.s32 s21, s2  }
0x9d: {  	[timem:s6], [sflag:s22] =	dma.local [hbm:s4], s20  }
0x9e: {  	_ =	swait.ge [sflag:s22], s20  }
0x9f: {  	s3 =	ssub.s32 $0x0, s20;
	[sflag:s22] =	ssyncset.done $0x0  }
0xa0: {  	[sflag:s22] =	ssyncadd.s32 s3;
	_ =	sdelay $0x1  }
0xa1: {  	s23 =	simm.s32 $0x1B8B  }
0xa2: {  	_ =	swait.ge [sflag:s23], $0x1  }
0xa3: {  	[sflag:s23] =	ssyncset.done $0x0  }
0xa4: {  	s25 =	simm.s32 $0x1B8E;
	s24 =	sld [smem:$0x3FFE];
	[sflag:s23] =	ssyncadd.s32 $0xFFFFFFFF  }
0xa5: {  	s26 =	simm.s32 $execute0_lowered;
	[smem:$0x3FD2] =	sst s25  }
0xa6: {  	s4 =	sshll.u32 s26, $0x1;
	_ =	strace $0x8000004C;
	[dreg:$0x1] =	wrdreg $0xFFFFFFFF  }
0xa7: {  	s28 =	simm.s32 $_size_execute0_lowered;
	s2 =	sadd.s32 s2, s4;
	[dreg:$0x0] =	wrdreg $0x0  }
0xa8: {  	s4 =	sshll.u32 s28, $0x1;
	[dreg:$0x2] =	wrdreg s2  }
0xa9: {  	[dreg:$0x3] =	wrdreg s4  }
0xaa: {  	[dreg:$0x4] =	wrdreg $0xC0  }
0xab: {  	_ =	task [dreg:s6], $0x5FFFF  }
0xac: {  	[dreg:$0x1] =	wrdreg $0xFFFFFFFF  }
0xad: {  	[dreg:$0x0] =	wrdreg $0x60  }
0xae: {  	[dreg:$0x2] =	wrdreg s24  }
0xaf: {  	[dreg:$0x3] =	wrdreg $0x50000  }
0xb0: {  	[dreg:$0x4] =	wrdreg $0x9  }
0xb1: {  	_ =	task.clear_ibuf [dreg:s6], $0x5FFFF;
	_ =	strace $0x9000004C  }
0xb2: {  	s29 =	simm.s32 $0x9;
	_ =	strace $0x8000004E  }
0xb3: {  	_ =	swait.ge [sflag:s29], $0x1  }
0xb4: {  	[sflag:s29] =	ssyncadd.s32 $0xFFFFFFFF  }
0xb5: {  	_ =	strace $0x9000004E  }
0xb6: {  	_ =	sfence  }
0xb7: {  	s30 =	sld [smem:$0x0];
	_ =	sdelay $0x2  }
0xb8: {  	s31 =	sshll.u32 s1, $0xD;
	s1 =	sshrl.u32 s1, $0x2  }
0xb9: {  	s3 =	sand.u32 $0x4000, s31;
	s1 =	sadd.s32 s1, s30  }
0xba: {  	s0 =	sor.u32 s3, s0;
	s1 =	sshll.u32 s1, $0x11  }
0xbb: {  	s0 =	sor.u32 s1, s0  }
0xbc: {  	s0 =	sadd.s32 $0x8F2B, s0  }
0xbd: {  	[sflag:s0] =	ssyncadd.remote.s32 $0x1  }
0xbe: {  	_ =	sfence.sel $0xFFFF  }
0xbf: {  	[dreg:$0x0] =	wrdreg $0xFFFFFFFF;
	(pc) =	sbr.abs _section_cstart, $3  }
0xc0: {  	[dreg:$0x1] =	wrdreg $0xFFFFFFFF  }
0xc1: {  	_ =	task.clear_ibuf [dreg:s6], $0x2FFFF;
	_ =	strace $0x9FFFFFFF  }
0xc2: {  	(tm) =	ssettm $0x7FFFFFFF  }
0xc3: {  	_ =	shalt  }
tec
execute0_lowered:
.L_overlay_start_1:
0x0: {  	(tag) =	ssettag $0x1  }
0x1: {  	s0 =	rddreg [dreg:$0x0]  }
0x2: {  	s1 =	rddreg [dreg:$0x1]  }
0x3: {  	s2 =	simm.s32 $0x0;
	s23 =	srdreg.scid;
	s8 =	stileid.u32  }
0x4: {  	s18 =	simm.s32 $0x3;
	s20 =	simm.s32 $0x32;
	s21 =	simm.s32 $0x1180  }
0x5: {  	s22 =	simm.s32 $0x38;
	s28 =	simm.s32 $0x3700;
	s29 =	simm.s32 $0x1  }
0x6: {  	s30 =	simm.s32 $0x2;
	s31 =	simm.s32 $0x0;
	[smem:$0x7FF] =	sst s2  }
0x7: {  	s4 =	sadd.s32 $0x3FC00, s0;
	s5 =	sadd.s32 $0x2C00, s0;
	s2 =	sand.u32 $0x1, s23  }
0x8: {  	s10 =	smul.u32 $0xA000, s8;
	s11 =	sadd.s32 $0x53600, s0;
	s14 =	sadd.s32 $0x96000, s1  }
0x9: {  	s0 =	sadd.s32 $0x52800, s0;
	p0 =	seq.s32 s8, $0xF;
	s23 =	simm.s32 $0x1E00  }
0xa: {  	_ =	strace $0x8000004D;
	s3 =	ssub.s32 $0x2, s2;
	s6 =	sshll.u32 s2, $0x4  }
0xb: {  	s2 =	smul.u32 $0x9C400, s2;
	[dreg:$0x4] =	wrdreg s0;
	s14 =	sshrl.u32 @p0 s14, $0x3  }
0xc: {  	s15 =	sshll.u32 @!p0 s8, $0x6;
	s7 =	sshrl.u32 s3, $0x1;
	s6 =	sor.u32 s8, s6  }
0xd: {  	s24 =	sshrl.u32 s10, $0x3;
	s17 =	sadd.s32 s10, s1;
	s16 =	sor.u32 @!p0 $0x1C01, s15  }
0xe: {  	s3 =	ssub.s32 s3, s7;
	s6 =	smul.u32 $0x2BC0, s6;
	s7 =	sadd.s32 s4, s24  }
0xf: {  	s26 =	sadd.s32 s10, s2;
	s2 =	sshrl.u32 s2, $0x3;
	s17 =	sshrl.u32 @!p0 s17, $0x3  }
0x10: {  	s24 =	simm.s32 $0x70;
	[dreg:$0x3] =	wrdreg s7;
	s0 =	sshrl.u32 s26, $0x3  }
0x11: {  	s2 =	sadd.s32 s11, s2;
	s13 =	smax.u32 s3, $0x1;
	s25 =	sshrl.u32 s6, $0x3  }
0x12: {  	s26 =	simm.s32 $0xA8;
	s11 =	sadd.s32 s11, s0;
	s9 =	sadd.s32 s5, s25  }
0x13: {  	s12 =	sadd.s32 $0x12C00, s2;
	s25 =	simm.s32 $0x2A80;
	s10 =	sadd.s32 $0xAF00, s9  }
.LBB2_1:
0x14: {  	s0 =	simm.s32 @p0 $0x1FC1;
	s2 =	rddreg [dreg:$0x4]  }
0x15: {  	[spmem:s14], [sflag:s0] =	dma.local @p0 [hbm:s2], $0xC80  }
0x16: {  	s8 =	simm.s32 $0x0;
	s0 =	rddreg [dreg:$0x3]  }
0x17: {  	[spmem:s17], [sflag:s16] =	dma.local @!p0 [hbm:s0], $0x1400  }
0x18: {  	[tilespmem:s8], [sflag:$0x3] =	stream.linear.gather [hbm4b:s9+s8], $0x8C0, $0x38;
	[tilespmem:$0xEC40] =	vst v63  }
0x19: {  	_ =	swait.ge [sflag:s18], $0x8C0  }
0x1a: {  	[sflag:s18] =	ssyncset.done $0x0  }
0x1b: {  	s19 =	simm.s32 $0x8C0;
	[sflag:s18] =	ssyncadd.s32 $0xFFFFF740  }
0x1c: {  	[tilespmem:s19], [sflag:$0x3] =	stream.linear.gather [hbm4b:s10+s8], $0x8C0, $0x38;
	[tilespmem:$0xEC40] =	vst v63  }
0x1d: {  	_ =	swait.ge [sflag:s18], $0x8C0  }
0x1e: {  	[sflag:s18] =	ssyncset.done $0x0  }
0x1f: {  	s0 =	simm.s32 @p0 $0x1;
	[sflag:s18] =	ssyncadd.s32 $0xFFFFF740  }
0x20: {  	_ =	swait.ge @p0 [sflag:s0], $0xC80  }
0x21: {  	[sflag:s0] =	ssyncset.done @p0 $0x0  }
0x22: {  	[sflag:s0] =	ssyncadd.s32 @p0 $0xFFFFF380;
	s0 =	simm.s32 @!p0 $0x1  }
0x23: {  	_ =	swait.ge @!p0 [sflag:s0], $0x1400  }
0x24: {  	[sflag:s0] =	ssyncset.done @!p0 $0x0  }
0x25: {  	[sflag:s0] =	ssyncadd.s32 @!p0 $0xFFFFEC00  }
0x26: {  	s0 =	simm.s32 $0x0;
	[bflag:$0x0] =	sbarrier.arrive $0xFFFF  }
.LBB2_2:
0x27: {  	p1 =	seq.s32 s0, $0x0  }
0x28: {  	s2 =	smul.u32 @!p1 $0x8C0, s0;
	_ =	sdelay $0x1  }
0x29: {  	s2 =	sadd.s32 @!p1 s6, s2  }
0x2a: {  	s2 =	sshrl.u32 @!p1 s2, $0x3  }
0x2b: {  	s3 =	simm.s32 @!p1 $0x0;
	s19 =	simm.s32 @!p1 $0x3;
	s2 =	sadd.s32 @!p1 s5, s2  }
0x2c: {  	[tilespmem:s3], [sflag:$0x3] =	stream.linear.gather @!p1 [hbm4b:s2+s3], $0x8C0, $0x38;
	[tilespmem:$0xEC40] =	vst v63  }
0x2d: {  	_ =	swait.ge @!p1 [sflag:s19], $0x8C0  }
0x2e: {  	[sflag:s19] =	ssyncset.done @!p1 $0x0  }
0x2f: {  	s7 =	simm.s32 @!p1 $0x8C0;
	s2 =	sadd.s32 @!p1 $0xAF00, s2;
	[sflag:s19] =	ssyncadd.s32 @!p1 $0xFFFFF740  }
0x30: {  	[tilespmem:s7], [sflag:$0x3] =	stream.linear.gather @!p1 [hbm4b:s2+s3], $0x8C0, $0x38;
	[tilespmem:$0xEC40] =	vst v63  }
0x31: {  	_ =	swait.ge @!p1 [sflag:s19], $0x8C0  }
0x32: {  	[sflag:s19] =	ssyncset.done @!p1 $0x0  }
0x33: {  	s3 =	simm.s32 $0x0;
	[sflag:s19] =	ssyncadd.s32 @!p1 $0xFFFFF740  }
0x34: {  	[tilespmem:s21], [sflag:$0x1] =	stream.indirect.gather [hbm4b:s4+s20], $0x40, s3, s20, $0xb8;
	[tilespmem:$0xEC40] =	vst v63  }
0x35: {  	_ = 	snop  }
0x36: {  	[tilespmem:s23], [sflag:$0x1] =	stream.indirect.gather [hbm4b:s4+s20], $0x40, s22, s20, $0xb8;
	[tilespmem:$0xEC40] =	vst v63  }
0x37: {  	_ = 	snop  }
0x38: {  	[tilespmem:s25], [sflag:$0x1] =	stream.indirect.gather [hbm4b:s4+s20], $0x40, s24, s20, $0xb8;
	[tilespmem:$0xEC40] =	vst v63  }
0x39: {  	s2 =	simm.s32 $0x8C0;
	s19 =	simm.s32 $0xE0  }
0x3a: {  	[tilespmem:s28], [sflag:$0x1] =	stream.indirect.gather [hbm4b:s4+s20], $0x40, s26, s20, $0xb8;
	[tilespmem:$0xEC40] =	vst v63  }
.LBB2_3:
0x3b: {  	s7 =	smul.u32 $0xCD, s3;
	_ =	sdelay $0x1  }
0x3c: {  	s7 =	sshrl.u32 s7, $0xA  }
0x3d: {  	s7 =	sand.u32 $0x3F, s7  }
0x3e: {  	s7 =	smul.u32 $0x5, s7;
	_ =	sdelay $0x1  }
0x3f: {  	s7 =	ssub.s32 s3, s7  }
0x40: {  	s7 =	sand.u32 $0xFF, s7  }
0x41: {  	s7 =	smul.u32 $0x3200, s7  }
0x42: {  	_ =	swait.ge [sflag:s29], $0xC80  }
0x43: {  	[sflag:s29] =	ssyncset.done $0x0;
	s7 =	sshrl.u32 s7, $0x2  }
0x44: {  	p1 =	seq.s32 s3, $0x0;
	[sflag:s29] =	ssyncadd.s32 $0xFFFFF380;
	s7 =	sadd.s32 $0x1180, s7  }
0x45: {  	[spmem:s1] =	stream.indirect.scatter.add.f32 [tilespmem:s7], [sflag:$0x2], $0x40, s2, s20, $0xb8;
	[tilespmem:$0xEC40] =	vst v63  }
0x46: {  	s7 =	simm.s32 @!p1 $0x2  }
0x47: {  	p2 =	sgt.u32 @!p1 s3, $0x23;
	_ =	swait.ge @!p1 [sflag:s7], $0xC80  }
0x48: {  	p2 =	por p1, !p2;
	[sflag:s7] =	ssyncset.done @!p1 $0x0  }
0x49: {  	[sflag:s7] =	ssyncadd.s32 @!p1 $0xFFFFF380;
	s7 =	sadd.s32 @p2 $0x4, s3  }
0x4a: {  	s8 =	smul.u32 @p2 $0xCD, s7;
	_ =	sdelay $0x1  }
0x4b: {  	s8 =	sshrl.u32 @p2 s8, $0xA  }
0x4c: {  	s8 =	sand.u32 @p2 $0x3F, s8  }
0x4d: {  	s8 =	smul.u32 @p2 $0x5, s8;
	_ =	sdelay $0x1  }
0x4e: {  	s7 =	ssub.s32 @p2 s7, s8  }
0x4f: {  	s3 =	sadd.s32 $0x1, s3;
	s7 =	sand.u32 @p2 $0xFF, s7  }
0x50: {  	p1 =	sne.s32 s3, $0x28;
	s7 =	smul.u32 @p2 $0x3200, s7  }
.Ltmp0:
0x51: {  	_ = 	snop;
	(pc) =	sbr.rel @p1 .LBB2_3-.Ltmp0, $4  }
0x52: {  	s7 =	sshrl.u32 @p2 s7, $0x2  }
0x53: {  	s7 =	sadd.s32 @p2 $0x1180, s7  }
0x54: {  	[tilespmem:s7], [sflag:$0x1] =	stream.indirect.gather @p2 [hbm4b:s4+s20], $0x40, s19, s20, $0xb8;
	[tilespmem:$0xEC40] =	vst v63  }
0x55: {  	s2 =	sadd.s32 $0x38, s2;
	s19 =	sadd.s32 $0x38, s19  }
0x56: {  	s0 =	sadd.s32 $0x1, s0  }
0x57: {  	p1 =	sne.s32 s0, $0x5  }
.Ltmp1:
0x58: {  	_ = 	snop;
	(pc) =	sbr.rel @p1 .LBB2_2-.Ltmp1, $4  }
0x59: {  	_ = 	snop  }
0x5a: {  	_ =	swait.ge [sflag:s30], $0xC80  }
0x5b: {  	[sflag:s30] =	ssyncset.done $0x0  }
0x5c: {  	[sflag:s30] =	ssyncadd.s32 $0xFFFFF380  }
0x5d: {  	[bflag:$0x0] =	sbarrier.arrive $0xFFFF;
	s0 =	simm.s32 @p0 $0x1FC3  }
0x5e: {  	[hbm:s12], [sflag:s0] =	dma.local @p0 [spmem:s14], $0xC80  }
0x5f: {  	s0 =	simm.s32 @p0 $0x3  }
0x60: {  	_ =	swait.ge @p0 [sflag:s0], $0xC80  }
0x61: {  	s31 =	sadd.s32 $0x1, s31;
	[sflag:s0] =	ssyncset.done @p0 $0x0  }
0x62: {  	p1 =	sne.s32 s31, s13;
	[sflag:s0] =	ssyncadd.s32 @p0 $0xFFFFF380;
	s0 =	sor.u32 @!p0 $0x1C03, s15  }
0x63: {  	[hbm:s11], [sflag:s0] =	dma.local @!p0 [spmem:s17], $0x1400  }
.Ltmp2:
0x64: {  	_ = 	snop;
	(pc) =	sbr.rel @p1 .LBB2_1-.Ltmp2, $4  }
0x65: {  	s0 =	simm.s32 @!p0 $0x3  }
0x66: {  	_ =	swait.ge @!p0 [sflag:s0], $0x1400  }
0x67: {  	[sflag:s0] =	ssyncset.done @!p0 $0x0  }
0x68: {  	[sflag:s0] =	ssyncadd.s32 @!p0 $0xFFFFEC00  }
0x69: {  	_ =	sfence.sel $0x180000  }
0x6a: {  	[bflag:$0x0] =	sbarrier.arrive $0xFFFF  }
0x6b: {  	_ =	strace $0x9000004D  }
0x6c: {  	s0 =	stileid.u32;
	[bflag:$0x2] =	sbarrier.arrive $0xFFFF  }
0x6d: {  	p0 =	sne.s32 s0, $0x0;
	s0 =	rddreg [dreg:$0x2]  }
0x6e: {  	s0 =	sadd.s32 @!p0 $0x100000, s0  }
0x6f: {  	[sflag:s0] =	ssyncadd.tile.s32 @!p0 $0x1;
	_ =	shalt  }
.Lfunc_end2:
_tile_overlayer_lowered:
.L_overlay_start_2:
0x70: {  	(tag) =	ssettag $0x2  }
0x71: {  	s0 =	rddreg [dreg:$0x0];
	s2 =	stileid.u32  }
0x72: {  	s1 =	rddreg [dreg:$0x1];
	p0 =	sne.s32 s2, $0x0  }
0x73: {  	s3 =	rddreg [dreg:$0x2];
	[bflag:$0x3] =	sbarrier.arrive $0xFFFF;
	s2 =	simm.s32 @!p0 $0x1C03  }
0x74: {  	[timem:s3], [sflag:s2] =	dma.local @!p0 [hbm:s0], s1  }
0x75: {  	s0 =	simm.s32 @!p0 $0x3  }
0x76: {  	_ =	swait.ge @!p0 [sflag:s0], s1  }
0x77: {  	s1 =	ssub.s32 @!p0 $0x0, s1;
	[sflag:s0] =	ssyncset.done @!p0 $0x0  }
0x78: {  	[sflag:s0] =	ssyncadd.s32 @!p0 s1  }
0x79: {  	[bflag:$0x3] =	sbarrier.arrive $0xFFFF  }
0x7a: {  	_ =	shalt  }

// kernel: kernel.9.cloned.1.call-start
scs
__scs_entry_jumppad:
0x0: {  	(pc) =	sbr.rel $0x88, $3  }
0x1: {  	(tag) =	ssettag $0x0;
	lr =	simm.s32 $0x1  }
0x2: {  	[smem:$0x3F9A] =	sst lr;
	_ =	strace $0xD0000000  }
0x3: {  	_ = 	snop  }
0x4: {  	_ = 	snop  }
0x5: {  	_ = 	snop  }
0x6: {  	_ = 	snop  }
0x7: {  	_ = 	snop  }
__scs_overlays_trampoline_lowered:
0x8: {  	[smem:$0x3FA9] =	sst s0  }
0x9: {  	[smem:$0x3FAA] =	sst s1  }
0xa: {  	[smem:$0x3FAB] =	sst s2  }
0xb: {  	[smem:$0x3FAC] =	sst s3  }
0xc: {  	[smem:$0x3FAD] =	sst s4  }
0xd: {  	[smem:$0x3FAE] =	sst s5  }
0xe: {  	[smem:$0x3FAF] =	sst s6  }
0xf: {  	[smem:$0x3FB0] =	sst s7  }
0x10: {  	[smem:$0x3FB1] =	sst s8  }
0x11: {  	[smem:$0x3FB2] =	sst s9;
	s0 =	simm.s32 @!p0 $0x0  }
0x12: {  	s1 =	sld [smem:$0x3F98];
	s0 =	simm.s32 @p0 $0x1  }
0x13: {  	[smem:$0x3FB3] =	sst s0;
	s0 =	simm.s32 @!p1 $0x0  }
0x14: {  	s2 =	sld [smem:$0x3F97];
	s0 =	simm.s32 @p1 $0x1  }
0x15: {  	[smem:$0x3FB4] =	sst s0;
	s0 =	simm.s32 @!p2 $0x0  }
0x16: {  	s3 =	sld [smem:$0x3FDB];
	s0 =	simm.s32 @p2 $0x1  }
0x17: {  	s4 =	simm.s32 $0x1BF5;
	[smem:$0x3FB6] =	sst s0  }
0x18: {  	s0 =	sld [smem:$0x3F99];
	_ =	swait.ge [sflag:s4], $0x0  }
0x19: {  	s7 =	sld [smem:$0x3F9A]  }
0x1a: {  	s8 =	sadd.s32 $0xFFFFE003, lr  }
0x1b: {  	s9 =	sadd.s32 $0xFFFFFEF7, lr;
	s5 =	simm.s32 $0xFFFFFFFF;
	p2 =	slt.u32 s8, $0xFFFFF086  }
0x1c: {  	p1 =	slt.u32 s9, $0xF7A;
	s5 =	simm.s32 @!p2 $0x0  }
0x1d: {  	s5 =	simm.s32 @p1 $0x1;
	p0 =	seq.s32 s7, s2  }
0x1e: {  	s7 =	smul.u32 @!p0 $0xF7A, s2;
	p2 =	seq.s32 @!p0 s5, $0x0  }
0x1f: {  	s9 =	smul.u32 $0xF7A, s1;
	s8 =	simm.s32 @!p0 $0x1BF5;
	p2 =	por !p2, p0  }
0x20: {  	[sflag:s8] =	ssyncset.s32 @!p0 $0xFFFFF086;
	s6 =	sadd.s32 @!p0 s3, s7;
	s7 =	simm.s32 @!p0 $0x108  }
0x21: {  	s3 =	sadd.s32 s3, s9;
	s6 =	sadd.s32 @!p0 $0x88, s6;
	s7 =	simm.s32 @p2 $0x1082  }
0x22: {  	[simem:s7], [sflag:s8] =	dma.local @!p0 [hbm:s6], $0xF7A  }
0x23: {  	s9 =	sor.u32 $0xD0000000, s2;
	s6 =	simm.s32 $0x108;
	_ =	swait.ge @!p0 [sflag:s8], $0x0  }
0x24: {  	s3 =	sadd.s32 $0x88, s3;
	s6 =	simm.s32 @!p1 $0x1082;
	[sflag:s4] =	ssyncset.s32 $0xFFFFF086  }
0x25: {  	[simem:s6], [sflag:s4] =	dma.local [hbm:s3], $0xF7A  }
0x26: {  	[smem:$0x3F9A] =	sst s1;
	(tag) =	ssettag s2;
	_ =	strace s9  }
0x27: {  	s1 =	sld [smem:$0x3FAA]  }
0x28: {  	s2 =	sld [smem:$0x3FAB]  }
0x29: {  	s4 =	sld [smem:$0x3FAD]  }
0x2a: {  	p0 =	seq.s32 s5, $0x0;
	s5 =	sld [smem:$0x3FAE]  }
0x2b: {  	s6 =	sld [smem:$0x3FAF]  }
0x2c: {  	s7 =	sld [smem:$0x3FB0]  }
0x2d: {  	s3 =	simm.s32 $0x108;
	s8 =	sld [smem:$0x3FB1]  }
0x2e: {  	s3 =	simm.s32 @!p0 $0x1082;
	s9 =	sld [smem:$0x3FB2]  }
0x2f: {  	lr =	sadd.s32 s0, s3;
	s0 =	sld [smem:$0x3FA9]  }
0x30: {  	s3 =	sld [smem:$0x3FAC]  }
0x31: {  	[smem:$0x3FB5] =	sst s10  }
0x32: {  	s10 =	sld [smem:$0x3FB3];
	_ =	sdelay $0x3  }
0x33: {  	p0 =	seq.s32 s10, $0x1;
	s10 =	sld [smem:$0x3FB5];
	_ =	sdelay $0x3  }
0x34: {  	[smem:$0x3FB5] =	sst s10  }
0x35: {  	s10 =	sld [smem:$0x3FB4];
	_ =	sdelay $0x3  }
0x36: {  	p1 =	seq.s32 s10, $0x1;
	s10 =	sld [smem:$0x3FB5];
	_ =	sdelay $0x3  }
0x37: {  	[smem:$0x3FB5] =	sst s10  }
0x38: {  	s10 =	sld [smem:$0x3FB6]  }
0x39: {  	_ = 	snop;
	(pc) =	sbr.ind lr, $3  }
0x3a: {  	_ = 	snop  }
0x3b: {  	_ = 	snop  }
0x3c: {  	p2 =	seq.s32 s10, $0x1;
	s10 =	sld [smem:$0x3FB5]  }
0x3d: {  	_ =	shalt  }
0x3e: {  	_ =	shalt  }
0x3f: {  	_ =	shalt  }
0x40: {  	_ =	shalt  }
0x41: {  	_ =	shalt  }
0x42: {  	_ =	shalt  }
0x43: {  	_ =	shalt  }
0x44: {  	_ =	shalt  }
0x45: {  	_ =	shalt  }
0x46: {  	_ =	shalt  }
0x47: {  	_ =	shalt  }
0x48: {  	_ =	shalt  }
0x49: {  	_ =	shalt  }
0x4a: {  	_ =	shalt  }
0x4b: {  	_ =	shalt  }
0x4c: {  	_ =	shalt  }
0x4d: {  	_ =	shalt  }
0x4e: {  	_ =	shalt  }
0x4f: {  	_ =	shalt  }
0x50: {  	_ =	shalt  }
0x51: {  	_ =	shalt  }
0x52: {  	_ =	shalt  }
0x53: {  	_ =	shalt  }
0x54: {  	_ =	shalt  }
0x55: {  	_ =	shalt  }
0x56: {  	_ =	shalt  }
0x57: {  	_ =	shalt  }
0x58: {  	_ =	shalt  }
0x59: {  	_ =	shalt  }
0x5a: {  	_ =	shalt  }
0x5b: {  	_ =	shalt  }
0x5c: {  	_ =	shalt  }
0x5d: {  	_ =	shalt  }
0x5e: {  	_ =	shalt  }
0x5f: {  	_ =	shalt  }
0x60: {  	_ =	shalt  }
0x61: {  	_ =	shalt  }
0x62: {  	_ =	shalt  }
0x63: {  	_ =	shalt  }
0x64: {  	_ =	shalt  }
0x65: {  	_ =	shalt  }
0x66: {  	_ =	shalt  }
0x67: {  	_ =	shalt  }
0x68: {  	_ =	shalt  }
0x69: {  	_ =	shalt  }
0x6a: {  	_ =	shalt  }
0x6b: {  	_ =	shalt  }
0x6c: {  	_ =	shalt  }
0x6d: {  	_ =	shalt  }
0x6e: {  	_ =	shalt  }
0x6f: {  	_ =	shalt  }
0x70: {  	_ =	shalt  }
0x71: {  	_ =	shalt  }
0x72: {  	_ =	shalt  }
0x73: {  	_ =	shalt  }
0x74: {  	_ =	shalt  }
0x75: {  	_ =	shalt  }
0x76: {  	_ =	shalt  }
0x77: {  	_ =	shalt  }
0x78: {  	_ =	shalt  }
0x79: {  	_ =	shalt  }
0x7a: {  	_ =	shalt  }
0x7b: {  	_ =	shalt  }
0x7c: {  	_ =	shalt  }
0x7d: {  	_ =	shalt  }
0x7e: {  	_ =	shalt  }
0x7f: {  	_ =	shalt  }
0x80: {  	_ =	shalt  }
0x81: {  	_ =	shalt  }
0x82: {  	_ =	shalt  }
0x83: {  	_ =	shalt  }
0x84: {  	_ =	shalt  }
0x85: {  	_ =	shalt  }
0x86: {  	_ =	shalt  }
0x87: {  	_ =	shalt  }
.Lfunc_end0:
.L_simem_size_0:
called_computation_lowered:
.L_overlay_start_0:
0x88: {  	s2 =	sld [smem:$0x3FD9]  }
0x89: {  	s3 =	sld [smem:$0x3FFE];
	_ =	sdelay $0x1  }
0x8a: {  	s1 =	srdreg.scid  }
0x8b: {  	s0 =	sand.u32 $0x1, s1  }
0x8c: {  	s16 =	sshll.u32 s0, $0xA;
	s2 =	sadd.s32 s3, s2  }
0x8d: {  	s2 =	sadd.s32 s2, s16  }
0x8e: {  	[smem:$0x3FC1] =	sst s2  }
0x8f: {  	_ = 	snop  }
0x90: {  	(tm) =	ssettm $0x1  }
0x91: {  	s17 =	sld [smem:$0x3FFB];
	_ =	sdelay $0x3  }
0x92: {  	_ =	strace s17  }
0x93: {  	s2 =	sld [smem:$0x3FFC];
	_ =	sdelay $0x3  }
0x94: {  	_ =	strace s2  }
0x95: {  	s2 =	sld [smem:$0x3FFD];
	_ =	sdelay $0x3  }
0x96: {  	_ =	strace s2  }
0x97: {  	_ =	strace $0x8FFFFFFF  }
0x98: {  	s18 =	sld [smem:$0x3FDB];
	_ =	sdelay $0x1  }
0x99: {  	s19 =	simm.s32 $_scs_section_size  }
0x9a: {  	s4 =	simm.s32 $_size__tile_overlayer_lowered;
	s5 =	simm.s32 $_tile_overlayer_lowered  }
0x9b: {  	s22 =	simm.s32 $0x1BFF;
	s21 =	sshll.u32 s5, $0x1;
	s2 =	sadd.s32 s19, s18  }
0x9c: {  	s6 =	simm.s32 $0x0;
	s20 =	sshll.u32 s4, $0x1;
	s4 =	sadd.s32 s21, s2  }
0x9d: {  	[timem:s6], [sflag:s22] =	dma.local [hbm:s4], s20  }
0x9e: {  	_ =	swait.ge [sflag:s22], s20  }
0x9f: {  	s3 =	ssub.s32 $0x0, s20;
	[sflag:s22] =	ssyncset.done $0x0  }
0xa0: {  	[sflag:s22] =	ssyncadd.s32 s3;
	_ =	sdelay $0x1  }
0xa1: {  	s23 =	simm.s32 $0x1B8B  }
0xa2: {  	_ =	swait.ge [sflag:s23], $0x1  }
0xa3: {  	[sflag:s23] =	ssyncset.done $0x0  }
0xa4: {  	s25 =	simm.s32 $0x1B8E;
	s24 =	sld [smem:$0x3FFE];
	[sflag:s23] =	ssyncadd.s32 $0xFFFFFFFF  }
0xa5: {  	s26 =	simm.s32 $execute0_lowered;
	[smem:$0x3FD2] =	sst s25  }
0xa6: {  	s4 =	sshll.u32 s26, $0x1;
	_ =	strace $0x80000046;
	[dreg:$0x1] =	wrdreg $0xFFFFFFFF  }
0xa7: {  	s28 =	simm.s32 $_size_execute0_lowered;
	s2 =	sadd.s32 s2, s4;
	[dreg:$0x0] =	wrdreg $0x0  }
0xa8: {  	s4 =	sshll.u32 s28, $0x1;
	[dreg:$0x2] =	wrdreg s2  }
0xa9: {  	[dreg:$0x3] =	wrdreg s4  }
0xaa: {  	[dreg:$0x4] =	wrdreg $0xC0  }
0xab: {  	_ =	task [dreg:s6], $0x5FFFF  }
0xac: {  	[dreg:$0x1] =	wrdreg $0xFFFFFFFF  }
0xad: {  	[dreg:$0x0] =	wrdreg $0x60  }
0xae: {  	[dreg:$0x2] =	wrdreg s24  }
0xaf: {  	[dreg:$0x3] =	wrdreg $0x2EC00  }
0xb0: {  	[dreg:$0x4] =	wrdreg $0x9  }
0xb1: {  	_ =	task.clear_ibuf [dreg:s6], $0x5FFFF;
	_ =	strace $0x90000046  }
0xb2: {  	s29 =	simm.s32 $0x9;
	_ =	strace $0x80000048  }
0xb3: {  	_ =	swait.ge [sflag:s29], $0x1  }
0xb4: {  	[sflag:s29] =	ssyncadd.s32 $0xFFFFFFFF  }
0xb5: {  	_ =	strace $0x90000048  }
0xb6: {  	_ =	sfence  }
0xb7: {  	s30 =	sld [smem:$0x0];
	_ =	sdelay $0x2  }
0xb8: {  	s31 =	sshll.u32 s1, $0xD;
	s1 =	sshrl.u32 s1, $0x2  }
0xb9: {  	s3 =	sand.u32 $0x4000, s31;
	s1 =	sadd.s32 s1, s30  }
0xba: {  	s0 =	sor.u32 s3, s0;
	s1 =	sshll.u32 s1, $0x11  }
0xbb: {  	s0 =	sor.u32 s1, s0  }
0xbc: {  	s0 =	sadd.s32 $0x8F2B, s0  }
0xbd: {  	[sflag:s0] =	ssyncadd.remote.s32 $0x1  }
0xbe: {  	_ =	sfence.sel $0xFFFF  }
0xbf: {  	[dreg:$0x0] =	wrdreg $0xFFFFFFFF;
	(pc) =	sbr.abs _section_cstart, $3  }
0xc0: {  	[dreg:$0x1] =	wrdreg $0xFFFFFFFF  }
0xc1: {  	_ =	task.clear_ibuf [dreg:s6], $0x2FFFF;
	_ =	strace $0x9FFFFFFF  }
0xc2: {  	(tm) =	ssettm $0x7FFFFFFF  }
0xc3: {  	_ =	shalt  }
tec
execute0_lowered:
.L_overlay_start_1:
0x0: {  	(tag) =	ssettag $0x1  }
0x1: {  	s1 =	srdreg.scid;
	s5 =	rddreg [dreg:$0x0]  }
0x2: {  	s0 =	stileid.u32;
	s2 =	rddreg [dreg:$0x1];
	s3 =	simm.s32 $0x0  }
0x3: {  	s10 =	simm.s32 $0x32;
	s11 =	simm.s32 $0x2BC0;
	s12 =	simm.s32 $0x1  }
0x4: {  	s15 =	simm.s32 $0x0;
	s4 =	sand.u32 $0x1, s1;
	s1 =	rddreg [dreg:$0x2]  }
0x5: {  	s6 =	smul.u32 $0x280, s0;
	[smem:$0x7FF] =	sst s3;
	s13 =	sshll.u32 s0, $0x6  }
0x6: {  	s7 =	smul.u32 $0x2800, s4;
	s8 =	sshll.u32 s4, $0x4;
	_ =	strace $0x80000047  }
0x7: {  	s4 =	ssub.s32 $0x2, s4;
	s13 =	sor.u32 $0x1C02, s13;
	s8 =	sor.u32 s0, s8  }
0x8: {  	s9 =	sshrl.u32 s4, $0x1;
	s7 =	sadd.s32 s6, s7;
	s8 =	smul.u32 $0x2BC0, s8  }
0x9: {  	s9 =	ssub.s32 s4, s9;
	s4 =	sadd.s32 s6, s2;
	s7 =	sshrl.u32 s7, $0x3  }
0xa: {  	s14 =	sshrl.u32 s4, $0x3;
	s7 =	sadd.s32 s7, s5;
	s8 =	sshrl.u32 s8, $0x3  }
0xb: {  	s5 =	sadd.s32 s5, s8;
	s6 =	sadd.s32 $0x18A00, s7;
	s7 =	smax.u32 s9, $0x1  }
0xc: {  	v0 =	vimm.f32 $1.000000000e+00;
	v1 =	vimm.f32 $0.0e+00;
	s8 =	simm.s32 $0x2C40;
	s9 =	simm.s32 $0x2;
	s5 =	sadd.s32 $0xDB00, s5  }
.LBB2_1:
0xd: {  	[tilespmem:$0x2BC0] =	vst v0  }
0xe: {  	[tilespmem:$0x2BD0] =	vst v0  }
0xf: {  	[tilespmem:$0x2BE0] =	vst v0  }
0x10: {  	[tilespmem:$0x2BF0] =	vst v0  }
0x11: {  	[tilespmem:$0x2C00] =	vst v0  }
0x12: {  	[tilespmem:$0x2C10] =	vst v0  }
0x13: {  	[tilespmem:$0x2C20] =	vst v0  }
0x14: {  	[tilespmem:$0x2C30] =	vst v0  }
0x15: {  	[tilespmem:$0x2C40] =	vst v1  }
0x16: {  	[tilespmem:$0x2C50] =	vst v1  }
0x17: {  	[tilespmem:$0x2C60] =	vst v1  }
0x18: {  	[tilespmem:$0x2C70] =	vst v1  }
0x19: {  	[tilespmem:$0x2C80] =	vst v1  }
0x1a: {  	[tilespmem:$0x2C90] =	vst v1  }
0x1b: {  	[tilespmem:$0x2CA0] =	vst v1  }
0x1c: {  	[tilespmem:$0x2CB0] =	vst v1  }
0x1d: {  	[tilespmem:$0x2CC0] =	vst v1  }
0x1e: {  	[tilespmem:$0x2CD0] =	vst v1  }
0x1f: {  	[tilespmem:$0x2CE0] =	vst v1  }
0x20: {  	[tilespmem:$0x2CF0] =	vst v1  }
0x21: {  	[tilespmem:$0x2D00] =	vst v1  }
0x22: {  	[tilespmem:$0x2D10] =	vst v1  }
0x23: {  	[tilespmem:$0x2D20] =	vst v1  }
0x24: {  	[tilespmem:$0x2D30] =	vst v1  }
0x25: {  	[tilespmem:$0x2D40] =	vst v1  }
0x26: {  	[tilespmem:$0x2D50] =	vst v1  }
0x27: {  	[tilespmem:$0x2D60] =	vst v1  }
0x28: {  	[tilespmem:$0x2D70] =	vst v1  }
0x29: {  	[tilespmem:$0x2D80] =	vst v1  }
0x2a: {  	[tilespmem:$0x2D90] =	vst v1  }
0x2b: {  	[tilespmem:$0x2DA0] =	vst v1  }
0x2c: {  	[tilespmem:$0x2DB0] =	vst v1  }
0x2d: {  	[tilespmem:$0x2DC0] =	vst v1  }
0x2e: {  	[tilespmem:$0x2DD0] =	vst v1  }
0x2f: {  	[tilespmem:$0x2DE0] =	vst v1  }
0x30: {  	[tilespmem:$0x2DF0] =	vst v1  }
0x31: {  	[tilespmem:$0x2E00] =	vst v1  }
0x32: {  	[tilespmem:$0x2E10] =	vst v1  }
0x33: {  	[tilespmem:$0x2E20] =	vst v1  }
0x34: {  	[tilespmem:$0x2E30] =	vst v1  }
0x35: {  	[tilespmem:$0x2E40] =	vst v1  }
0x36: {  	[tilespmem:$0x2E50] =	vst v1  }
0x37: {  	[tilespmem:$0x2E60] =	vst v1  }
0x38: {  	[tilespmem:$0x2E70] =	vst v1  }
0x39: {  	[tilespmem:$0x2E80] =	vst v1  }
0x3a: {  	[tilespmem:$0x2E90] =	vst v1  }
0x3b: {  	[tilespmem:$0x2EA0] =	vst v1  }
0x3c: {  	[tilespmem:$0x2EB0] =	vst v1  }
0x3d: {  	[spmem:s4] =	stream.linear.scatter [tilespmem:s8], [sflag:$0x2], $0x280, $0x38;
	[tilespmem:$0x3140] =	vst v63  }
0x3e: {  	_ =	swait.ge [sflag:s9], $0x280  }
0x3f: {  	[sflag:s9] =	ssyncset.done $0x0  }
0x40: {  	[sflag:s9] =	ssyncadd.s32 $0xFFFFFD80  }
0x41: {  	[bflag:$0x0] =	sbarrier.arrive $0xFFFF  }
0x42: {  	[tilespmem:s3], [sflag:$0x2] =	stream.linear.gather [hbm4b:s5+s3], $0x2BC0, $0x38;
	[tilespmem:$0x3140] =	vst v63  }
0x43: {  	_ =	swait.ge [sflag:s9], $0x2BC0  }
0x44: {  	[sflag:s9] =	ssyncset.done $0x0  }
0x45: {  	s16 =	simm.s32 $0x0;
	[sflag:s9] =	ssyncadd.s32 $0xFFFFD440  }
.LBB2_2:
0x46: {  	p0 =	sne.s32 s16, $0xAE20  }
.Ltmp0:
0x47: {  	_ = 	snop;
	(pc) =	sbr.rel @p0 .LBB2_2-.Ltmp0, $3  }
0x48: {  	_ =	sdelay $0x1  }
0x49: {  	s17 =	sshra.s32 s16, $0x2;
	s16 =	sadd.s32 $0xE0, s16  }
0x4a: {  	[spmem:s2] =	stream.indirect.scatter.add.f32 [tilespmem:s11], [sflag:$0x1], $0x1, s17, s10, $0xb8;
	[tilespmem:$0x3140] =	vst v63  }
0x4b: {  	_ =	swait.ge [sflag:s12], $0x32  }
0x4c: {  	s16 =	simm.s32 $0xC7;
	[sflag:s12] =	ssyncset.done $0x0  }
.LBB2_4:
0x4d: {  	p0 =	sne.s32 s16, $0x1;
	s16 =	sadd.s32 $0xFFFFFFFF, s16;
	[sflag:s12] =	ssyncadd.s32 $0xFFFFFFCE  }
.Ltmp1:
0x4e: {  	(pc) =	sbr.rel @p0 .LBB2_4-.Ltmp1, $3  }
0x4f: {  	_ =	sdelay $0x1  }
0x50: {  	_ =	swait.ge [sflag:s12], $0x32  }
0x51: {  	[sflag:s12] =	ssyncset.done $0x0  }
0x52: {  	s15 =	sadd.s32 $0x1, s15  }
0x53: {  	[sflag:s12] =	ssyncadd.s32 $0xFFFFFFCE;
	p0 =	sne.s32 s15, s7  }
.Ltmp2:
0x54: {  	[bflag:$0x0] =	sbarrier.arrive $0xFFFF;
	(pc) =	sbr.rel @p0 .LBB2_1-.Ltmp2, $4  }
0x55: {  	[hbm:s6], [sflag:s13] =	dma.local [spmem:s14], $0x50  }
0x56: {  	_ =	swait.ge [sflag:s9], $0x50  }
0x57: {  	[sflag:s9] =	ssyncset.done $0x0  }
0x58: {  	[sflag:s9] =	ssyncadd.s32 $0xFFFFFFB0  }
0x59: {  	_ =	sfence.sel $0x180000  }
0x5a: {  	[bflag:$0x0] =	sbarrier.arrive $0xFFFF  }
0x5b: {  	p0 =	sne.s32 s0, $0x0;
	_ =	strace $0x90000047  }
0x5c: {  	s0 =	sadd.s32 @!p0 $0x100000, s1;
	[bflag:$0x2] =	sbarrier.arrive $0xFFFF  }
0x5d: {  	[sflag:s0] =	ssyncadd.tile.s32 @!p0 $0x1;
	_ =	shalt  }
.Lfunc_end2:
_tile_overlayer_lowered:
.L_overlay_start_2:
0x5e: {  	(tag) =	ssettag $0x2  }
0x5f: {  	s0 =	rddreg [dreg:$0x0];
	s2 =	stileid.u32  }
0x60: {  	s1 =	rddreg [dreg:$0x1];
	p0 =	sne.s32 s2, $0x0  }
0x61: {  	s3 =	rddreg [dreg:$0x2];
	[bflag:$0x3] =	sbarrier.arrive $0xFFFF;
	s2 =	simm.s32 @!p0 $0x1C02  }
0x62: {  	[timem:s3], [sflag:s2] =	dma.local @!p0 [hbm:s0], s1  }
0x63: {  	s0 =	simm.s32 @!p0 $0x2  }
0x64: {  	_ =	swait.ge @!p0 [sflag:s0], s1  }
0x65: {  	s1 =	ssub.s32 @!p0 $0x0, s1;
	[sflag:s0] =	ssyncset.done @!p0 $0x0  }
0x66: {  	[sflag:s0] =	ssyncadd.s32 @!p0 s1  }
0x67: {  	[bflag:$0x3] =	sbarrier.arrive $0xFFFF  }
0x68: {  	_ =	shalt  }

</sc_bundles>
